<compile_context>
chip_gen: v7x
topology: tpu7x:2x2x1
jax: 0.10.2.dev20260603
libtpu: 0.0.44.dev20260713+nightly
codegen_flags: <defaults>
</compile_context>

<pallas_src>
import functools

import jax
import jax.numpy as jnp
from jax import lax
from jax.experimental import pallas as pl
from jax.experimental.pallas import tpu as pltpu
from jax.experimental.pallas import tpu_sc as plsc

N = 4096
NUM_CORES = 2
NUM_SUBCORES = 16
NUM_WORKERS = NUM_CORES * NUM_SUBCORES
ROWS_PER_WORKER = N // NUM_WORKERS
CHUNK = 8
STEPS = ROWS_PER_WORKER // CHUNK
LANES = 16


def _sc_body(perm_hbm, out_hbm, idx_v, buf0, buf1, sem0, sem1):
    c = lax.axis_index("c")
    s = lax.axis_index("s")
    wid = s * NUM_CORES + c
    base = wid * ROWS_PER_WORKER

    pltpu.sync_copy(perm_hbm.at[pl.ds(base, ROWS_PER_WORKER)], idx_v)

    zeros = jnp.zeros((LANES,), jnp.float32)
    ones = jnp.ones((LANES,), jnp.float32)
    lanes = lax.iota(jnp.int32, LANES)
    lo = lanes < CHUNK

    bufs = (buf0, buf1)
    sems = (sem0, sem1)

    def _zero_buf(buf):
        def _cols(j, _):
            for r in range(CHUNK):
                buf[r, pl.ds(j * LANES, LANES)] = zeros
            return 0

        lax.fori_loop(0, N // LANES, _cols, 0, unroll=4)

    def _cols_at(st):
        off = min(st * CHUNK, ROWS_PER_WORKER - LANES)
        shift = st * CHUNK - off
        window = idx_v[pl.ds(off, LANES)]
        return window, shift

    def _prep(b, st):
        window, shift = _cols_at(st)
        rows = lanes - shift
        mask = (rows >= 0) & (rows < CHUNK)
        plsc.store_scatter(bufs[b], [rows, window], ones, mask=mask)

    def _clear(b, st):
        window, shift = _cols_at(st)
        rows = lanes - shift
        mask = (rows >= 0) & (rows < CHUNK)
        plsc.store_scatter(bufs[b], [rows, window], zeros, mask=mask)

    def _send(b, st):
        return pltpu.make_async_copy(
            bufs[b], out_hbm.at[pl.ds(base + st * CHUNK, CHUNK)], sems[b]
        )

    _zero_buf(buf0)
    _zero_buf(buf1)
    inflight = [None, None]
    for st in range(STEPS):
        b = st & 1
        if inflight[b] is not None:
            inflight[b].wait()
            _clear(b, st - 2)
        _prep(b, st)
        dma = _send(b, st)
        dma.start()
        inflight[b] = dma
    for b in (0, 1):
        if inflight[b] is not None:
            inflight[b].wait()


@functools.partial(jax.jit, static_argnums=())
def _sc_build(perm):
    mesh = plsc.VectorSubcoreMesh(
        core_axis_name="c", subcore_axis_name="s",
        num_cores=NUM_CORES, num_subcores=NUM_SUBCORES,
    )
    return pl.kernel(
        _sc_body,
        out_type=jax.ShapeDtypeStruct((N, N), jnp.float32),
        mesh=mesh,
        scratch_types=[
            pltpu.VMEM((ROWS_PER_WORKER,), jnp.int32),
            pltpu.VMEM((CHUNK, N), jnp.float32),
            pltpu.VMEM((CHUNK, N), jnp.float32),
            pltpu.SemaphoreType.DMA,
            pltpu.SemaphoreType.DMA,
        ],
        compiler_params=pltpu.CompilerParams(needs_layout_passes=False),
    )(perm)


def kernel(perm):
    return _sc_build(perm.astype(jnp.int32))

# --- scband reference (transcript-rebuilt; emitter-appended) ---
"""Pipeline reference for scband-permutation-matrix-27908697489490 (READ-ONLY COPY).

The authoritative reference and input builder live on the scoring server;
editing this copy changes nothing except your own understanding.
"""

import jax, jax.numpy as jnp
import numpy as np

N_DIM = 4096

def setup_inputs(seed: int = 0) -> dict:
    key = jax.random.key(seed)
    # torch.randperm equivalent: random permutation of [0, N_DIM)
    perm = jax.random.permutation(key, N_DIM).astype(jnp.int64)
    return {"perm": perm}

def reference(perm) -> jnp.ndarray:
    # PermutationMatrix.forward() -> mat() -> torch.eye(n_dim)[perm]
    eye = jnp.eye(N_DIM, dtype=jnp.float32)
    return jnp.take(eye, perm, axis=0)

if __name__ == "__main__":
    import jax
    _d = setup_inputs()
    print(jax.jit(kernel)(*tuple(_d.values())))

</pallas_src>

<mosaic_0001>
#map = affine_map<(d0, d1) -> (0)>
#map1 = affine_map<(d0, d1) -> (0, 0)>
module attributes {stable_mosaic.version = 14 : i64} {
  func.func @_sc_body(%arg0: i32, %arg1: i32, %arg2: memref<4096xi32, #tpu.memory_space<hbm>>, %arg3: memref<4096x4096xf32, #tpu.memory_space<hbm>>, %arg4: memref<128xi32, #tpu.memory_space<vmem>>, %arg5: memref<8x4096xf32, #tpu.memory_space<vmem>>, %arg6: memref<8x4096xf32, #tpu.memory_space<vmem>>, %arg7: memref<!tpu.dma_semaphore, #tpu.memory_space<semaphore_mem>>, %arg8: memref<!tpu.dma_semaphore, #tpu.memory_space<semaphore_mem>>) attributes {dimension_semantics = [#tpu.dimension_semantics<core_parallel>, #tpu.dimension_semantics<subcore_parallel>], iteration_bounds = array<i64: 2, 16>, scalar_prefetch = 0 : i64, scratch_operands = 5 : i64, tpu.core_type = #tpu.core_type<sc_vector_subcore>, window_params = [{transform_indices = #map}, {transform_indices = #map1}]} {
    %mul3A = arith.constant 2 : i32
    %mul3A_0 = arith.muli %arg1, %mul3A : i32
    %add3A = arith.addi %mul3A_0, %arg0 : i32
    %mul3A_1 = arith.constant 128 : i32
    %mul3A_2 = arith.muli %add3A, %mul3A_1 : i32
    "tpu.region"() ({
      %run_scoped3A = tpu.sem_alloc : memref<!tpu.dma_semaphore, #tpu.memory_space<semaphore_mem>>
      %dma_start3A_535 = tpu.memref_slice %arg2[%mul3A_2] : memref<4096xi32, #tpu.memory_space<hbm>> -> memref<128xi32, #tpu.memory_space<hbm>>
      %dma_start3A_536 = tpu.memref_slice %arg2[%mul3A_2] : memref<4096xi32, #tpu.memory_space<hbm>> -> memref<128xi32, #tpu.memory_space<hbm>>
      tpu.enqueue_dma source(%dma_start3A_536 : memref<128xi32, #tpu.memory_space<hbm>>) target(%arg4 : memref<128xi32, #tpu.memory_space<vmem>>) target_semaphore(%run_scoped3A : memref<!tpu.dma_semaphore, #tpu.memory_space<semaphore_mem>>)
      %dma_wait3A_537 = tpu.memref_slice %arg2[%mul3A_2] : memref<4096xi32, #tpu.memory_space<hbm>> -> memref<128xi32, #tpu.memory_space<hbm>>
      %dma_wait3A_538 = tpu.memref_slice %arg2[%mul3A_2] : memref<4096xi32, #tpu.memory_space<hbm>> -> memref<128xi32, #tpu.memory_space<hbm>>
      tpu.wait_dma2 semaphore(%run_scoped3A : memref<!tpu.dma_semaphore, #tpu.memory_space<semaphore_mem>>) src(%dma_wait3A_538 : memref<128xi32, #tpu.memory_space<hbm>>) dst(%arg4 : memref<128xi32, #tpu.memory_space<vmem>>)
      tpu.yield
    }) : () -> ()
    %broadcast_in_dim3A = arith.constant 0.000000e+00 : f32
    %broadcast_in_dim3A_3 = vector.broadcast %broadcast_in_dim3A : f32 to vector<16xf32>
    %broadcast_in_dim3A_4 = arith.constant 1.000000e+00 : f32
    %broadcast_in_dim3A_5 = vector.broadcast %broadcast_in_dim3A_4 : f32 to vector<16xf32>
    %iota3A = tpu.iota {dimensions = array<i32: 0>} : vector<16xi32>
    %lt3A = arith.constant 8 : i32
    %lt3A_6 = vector.broadcast %lt3A : i32 to vector<16xi32>
    %lt3A_7 = arith.cmpi slt, %iota3A, %lt3A_6 : vector<16xi32>
    %scan3A = arith.constant 0 : i32
    %scan3A_8 = arith.constant 0 : i32
    %scan3A_9 = arith.constant 256 : i32
    %scan3A_10 = arith.addi %scan3A_8, %scan3A_9 : i32
    %scan3A_11 = arith.constant 4 : i32
    %scan3A_12 = scf.for %scan3A_535 = %scan3A_8 to %scan3A_10 step %scan3A_11 iter_args(%scan3A_536 = %scan3A) -> (i32)  : i32 {
      %mul3A_537 = arith.constant 16 : i32
      %mul3A_538 = arith.muli %scan3A_535, %mul3A_537 : i32
      %swap3A = arith.constant 0 : i32
      %swap3A_539 = arith.index_cast %swap3A : i32 to index
      %swap3A_540 = arith.index_cast %mul3A_538 : i32 to index
      %swap3A_541 = tpu.vector_load %arg5[%swap3A_539, %swap3A_540] {strides = array<i32>} : memref<8x4096xf32, #tpu.memory_space<vmem>>, vector<16xf32>,
      tpu.vector_store %arg5[%swap3A_539, %swap3A_540], %broadcast_in_dim3A_3 {strides = array<i32>} : memref<8x4096xf32, #tpu.memory_space<vmem>>, vector<16xf32>,
      %mul3A_542 = arith.constant 16 : i32
      %mul3A_543 = arith.muli %scan3A_535, %mul3A_542 : i32
      %swap3A_544 = arith.constant 1 : i32
      %swap3A_545 = arith.index_cast %swap3A_544 : i32 to index
      %swap3A_546 = arith.index_cast %mul3A_543 : i32 to index
      %swap3A_547 = tpu.vector_load %arg5[%swap3A_545, %swap3A_546] {strides = array<i32>} : memref<8x4096xf32, #tpu.memory_space<vmem>>, vector<16xf32>,
      tpu.vector_store %arg5[%swap3A_545, %swap3A_546], %broadcast_in_dim3A_3 {strides = array<i32>} : memref<8x4096xf32, #tpu.memory_space<vmem>>, vector<16xf32>,
      %mul3A_548 = arith.constant 16 : i32
      %mul3A_549 = arith.muli %scan3A_535, %mul3A_548 : i32
      %swap3A_550 = arith.constant 2 : i32
      %swap3A_551 = arith.index_cast %swap3A_550 : i32 to index
      %swap3A_552 = arith.index_cast %mul3A_549 : i32 to index
      %swap3A_553 = tpu.vector_load %arg5[%swap3A_551, %swap3A_552] {strides = array<i32>} : memref<8x4096xf32, #tpu.memory_space<vmem>>, vector<16xf32>,
      tpu.vector_store %arg5[%swap3A_551, %swap3A_552], %broadcast_in_dim3A_3 {strides = array<i32>} : memref<8x4096xf32, #tpu.memory_space<vmem>>, vector<16xf32>,
      %mul3A_554 = arith.constant 16 : i32
      %mul3A_555 = arith.muli %scan3A_535, %mul3A_554 : i32
      %swap3A_556 = arith.constant 3 : i32
      %swap3A_557 = arith.index_cast %swap3A_556 : i32 to index
      %swap3A_558 = arith.index_cast %mul3A_555 : i32 to index
      %swap3A_559 = tpu.vector_load %arg5[%swap3A_557, %swap3A_558] {strides = array<i32>} : memref<8x4096xf32, #tpu.memory_space<vmem>>, vector<16xf32>,
      tpu.vector_store %arg5[%swap3A_557, %swap3A_558], %broadcast_in_dim3A_3 {strides = array<i32>} : memref<8x4096xf32, #tpu.memory_space<vmem>>, vector<16xf32>,
      %mul3A_560 = arith.constant 16 : i32
      %mul3A_561 = arith.muli %scan3A_535, %mul3A_560 : i32
      %swap3A_562 = arith.constant 4 : i32
      %swap3A_563 = arith.index_cast %swap3A_562 : i32 to index
      %swap3A_564 = arith.index_cast %mul3A_561 : i32 to index
      %swap3A_565 = tpu.vector_load %arg5[%swap3A_563, %swap3A_564] {strides = array<i32>} : memref<8x4096xf32, #tpu.memory_space<vmem>>, vector<16xf32>,
      tpu.vector_store %arg5[%swap3A_563, %swap3A_564], %broadcast_in_dim3A_3 {strides = array<i32>} : memref<8x4096xf32, #tpu.memory_space<vmem>>, vector<16xf32>,
      %mul3A_566 = arith.constant 16 : i32
      %mul3A_567 = arith.muli %scan3A_535, %mul3A_566 : i32
      %swap3A_568 = arith.constant 5 : i32
      %swap3A_569 = arith.index_cast %swap3A_568 : i32 to index
      %swap3A_570 = arith.index_cast %mul3A_567 : i32 to index
      %swap3A_571 = tpu.vector_load %arg5[%swap3A_569, %swap3A_570] {strides = array<i32>} : memref<8x4096xf32, #tpu.memory_space<vmem>>, vector<16xf32>,
      tpu.vector_store %arg5[%swap3A_569, %swap3A_570], %broadcast_in_dim3A_3 {strides = array<i32>} : memref<8x4096xf32, #tpu.memory_space<vmem>>, vector<16xf32>,
      %mul3A_572 = arith.constant 16 : i32
      %mul3A_573 = arith.muli %scan3A_535, %mul3A_572 : i32
      %swap3A_574 = arith.constant 6 : i32
      %swap3A_575 = arith.index_cast %swap3A_574 : i32 to index
      %swap3A_576 = arith.index_cast %mul3A_573 : i32 to index
      %swap3A_577 = tpu.vector_load %arg5[%swap3A_575, %swap3A_576] {strides = array<i32>} : memref<8x4096xf32, #tpu.memory_space<vmem>>, vector<16xf32>,
      tpu.vector_store %arg5[%swap3A_575, %swap3A_576], %broadcast_in_dim3A_3 {strides = array<i32>} : memref<8x4096xf32, #tpu.memory_space<vmem>>, vector<16xf32>,
      %mul3A_578 = arith.constant 16 : i32
      %mul3A_579 = arith.muli %scan3A_535, %mul3A_578 : i32
      %swap3A_580 = arith.constant 7 : i32
      %swap3A_581 = arith.index_cast %swap3A_580 : i32 to index
      %swap3A_582 = arith.index_cast %mul3A_579 : i32 to index
      %swap3A_583 = tpu.vector_load %arg5[%swap3A_581, %swap3A_582] {strides = array<i32>} : memref<8x4096xf32, #tpu.memory_space<vmem>>, vector<16xf32>,
      tpu.vector_store %arg5[%swap3A_581, %swap3A_582], %broadcast_in_dim3A_3 {strides = array<i32>} : memref<8x4096xf32, #tpu.memory_space<vmem>>, vector<16xf32>,
      %scan3A_584 = arith.constant 0 : i32
      %scan3A_585 = arith.constant 1 : i32
      %scan3A_586 = arith.addi %scan3A_535, %scan3A_585 : i32
      %mul3A_587 = arith.constant 16 : i32
      %mul3A_588 = arith.muli %scan3A_586, %mul3A_587 : i32
      %swap3A_589 = arith.constant 0 : i32
      %swap3A_590 = arith.index_cast %swap3A_589 : i32 to index
      %swap3A_591 = arith.index_cast %mul3A_588 : i32 to index
      %swap3A_592 = tpu.vector_load %arg5[%swap3A_590, %swap3A_591] {strides = array<i32>} : memref<8x4096xf32, #tpu.memory_space<vmem>>, vector<16xf32>,
      tpu.vector_store %arg5[%swap3A_590, %swap3A_591], %broadcast_in_dim3A_3 {strides = array<i32>} : memref<8x4096xf32, #tpu.memory_space<vmem>>, vector<16xf32>,
      %mul3A_593 = arith.constant 16 : i32
      %mul3A_594 = arith.muli %scan3A_586, %mul3A_593 : i32
      %swap3A_595 = arith.constant 1 : i32
      %swap3A_596 = arith.index_cast %swap3A_595 : i32 to index
      %swap3A_597 = arith.index_cast %mul3A_594 : i32 to index
      %swap3A_598 = tpu.vector_load %arg5[%swap3A_596, %swap3A_597] {strides = array<i32>} : memref<8x4096xf32, #tpu.memory_space<vmem>>, vector<16xf32>,
      tpu.vector_store %arg5[%swap3A_596, %swap3A_597], %broadcast_in_dim3A_3 {strides = array<i32>} : memref<8x4096xf32, #tpu.memory_space<vmem>>, vector<16xf32>,
      %mul3A_599 = arith.constant 16 : i32
      %mul3A_600 = arith.muli %scan3A_586, %mul3A_599 : i32
      %swap3A_601 = arith.constant 2 : i32
      %swap3A_602 = arith.index_cast %swap3A_601 : i32 to index
      %swap3A_603 = arith.index_cast %mul3A_600 : i32 to index
      %swap3A_604 = tpu.vector_load %arg5[%swap3A_602, %swap3A_603] {strides = array<i32>} : memref<8x4096xf32, #tpu.memory_space<vmem>>, vector<16xf32>,
      tpu.vector_store %arg5[%swap3A_602, %swap3A_603], %broadcast_in_dim3A_3 {strides = array<i32>} : memref<8x4096xf32, #tpu.memory_space<vmem>>, vector<16xf32>,
      %mul3A_605 = arith.constant 16 : i32
      %mul3A_606 = arith.muli %scan3A_586, %mul3A_605 : i32
      %swap3A_607 = arith.constant 3 : i32
      %swap3A_608 = arith.index_cast %swap3A_607 : i32 to index
      %swap3A_609 = arith.index_cast %mul3A_606 : i32 to index
      %swap3A_610 = tpu.vector_load %arg5[%swap3A_608, %swap3A_609] {strides = array<i32>} : memref<8x4096xf32, #tpu.memory_space<vmem>>, vector<16xf32>,
      tpu.vector_store %arg5[%swap3A_608, %swap3A_609], %broadcast_in_dim3A_3 {strides = array<i32>} : memref<8x4096xf32, #tpu.memory_space<vmem>>, vector<16xf32>,
      %mul3A_611 = arith.constant 16 : i32
      %mul3A_612 = arith.muli %scan3A_586, %mul3A_611 : i32
      %swap3A_613 = arith.constant 4 : i32
      %swap3A_614 = arith.index_cast %swap3A_613 : i32 to index
      %swap3A_615 = arith.index_cast %mul3A_612 : i32 to index
      %swap3A_616 = tpu.vector_load %arg5[%swap3A_614, %swap3A_615] {strides = array<i32>} : memref<8x4096xf32, #tpu.memory_space<vmem>>, vector<16xf32>,
      tpu.vector_store %arg5[%swap3A_614, %swap3A_615], %broadcast_in_dim3A_3 {strides = array<i32>} : memref<8x4096xf32, #tpu.memory_space<vmem>>, vector<16xf32>,
      %mul3A_617 = arith.constant 16 : i32
      %mul3A_618 = arith.muli %scan3A_586, %mul3A_617 : i32
      %swap3A_619 = arith.constant 5 : i32
      %swap3A_620 = arith.index_cast %swap3A_619 : i32 to index
      %swap3A_621 = arith.index_cast %mul3A_618 : i32 to index
      %swap3A_622 = tpu.vector_load %arg5[%swap3A_620, %swap3A_621] {strides = array<i32>} : memref<8x4096xf32, #tpu.memory_space<vmem>>, vector<16xf32>,
      tpu.vector_store %arg5[%swap3A_620, %swap3A_621], %broadcast_in_dim3A_3 {strides = array<i32>} : memref<8x4096xf32, #tpu.memory_space<vmem>>, vector<16xf32>,
      %mul3A_623 = arith.constant 16 : i32
      %mul3A_624 = arith.muli %scan3A_586, %mul3A_623 : i32
      %swap3A_625 = arith.constant 6 : i32
      %swap3A_626 = arith.index_cast %swap3A_625 : i32 to index
      %swap3A_627 = arith.index_cast %mul3A_624 : i32 to index
      %swap3A_628 = tpu.vector_load %arg5[%swap3A_626, %swap3A_627] {strides = array<i32>} : memref<8x4096xf32, #tpu.memory_space<vmem>>, vector<16xf32>,
      tpu.vector_store %arg5[%swap3A_626, %swap3A_627], %broadcast_in_dim3A_3 {strides = array<i32>} : memref<8x4096xf32, #tpu.memory_space<vmem>>, vector<16xf32>,
      %mul3A_629 = arith.constant 16 : i32
      %mul3A_630 = arith.muli %scan3A_586, %mul3A_629 : i32
      %swap3A_631 = arith.constant 7 : i32
      %swap3A_632 = arith.index_cast %swap3A_631 : i32 to index
      %swap3A_633 = arith.index_cast %mul3A_630 : i32 to index
      %swap3A_634 = tpu.vector_load %arg5[%swap3A_632, %swap3A_633] {strides = array<i32>} : memref<8x4096xf32, #tpu.memory_space<vmem>>, vector<16xf32>,
      tpu.vector_store %arg5[%swap3A_632, %swap3A_633], %broadcast_in_dim3A_3 {strides = array<i32>} : memref<8x4096xf32, #tpu.memory_space<vmem>>, vector<16xf32>,
      %scan3A_635 = arith.constant 0 : i32
      %scan3A_636 = arith.constant 2 : i32
      %scan3A_637 = arith.addi %scan3A_535, %scan3A_636 : i32
      %mul3A_638 = arith.constant 16 : i32
      %mul3A_639 = arith.muli %scan3A_637, %mul3A_638 : i32
      %swap3A_640 = arith.constant 0 : i32
      %swap3A_641 = arith.index_cast %swap3A_640 : i32 to index
      %swap3A_642 = arith.index_cast %mul3A_639 : i32 to index
      %swap3A_643 = tpu.vector_load %arg5[%swap3A_641, %swap3A_642] {strides = array<i32>} : memref<8x4096xf32, #tpu.memory_space<vmem>>, vector<16xf32>,
      tpu.vector_store %arg5[%swap3A_641, %swap3A_642], %broadcast_in_dim3A_3 {strides = array<i32>} : memref<8x4096xf32, #tpu.memory_space<vmem>>, vector<16xf32>,
      %mul3A_644 = arith.constant 16 : i32
      %mul3A_645 = arith.muli %scan3A_637, %mul3A_644 : i32
      %swap3A_646 = arith.constant 1 : i32
      %swap3A_647 = arith.index_cast %swap3A_646 : i32 to index
      %swap3A_648 = arith.index_cast %mul3A_645 : i32 to index
      %swap3A_649 = tpu.vector_load %arg5[%swap3A_647, %swap3A_648] {strides = array<i32>} : memref<8x4096xf32, #tpu.memory_space<vmem>>, vector<16xf32>,
      tpu.vector_store %arg5[%swap3A_647, %swap3A_648], %broadcast_in_dim3A_3 {strides = array<i32>} : memref<8x4096xf32, #tpu.memory_space<vmem>>, vector<16xf32>,
      %mul3A_650 = arith.constant 16 : i32
      %mul3A_651 = arith.muli %scan3A_637, %mul3A_650 : i32
      %swap3A_652 = arith.constant 2 : i32
      %swap3A_653 = arith.index_cast %swap3A_652 : i32 to index
      %swap3A_654 = arith.index_cast %mul3A_651 : i32 to index
      %swap3A_655 = tpu.vector_load %arg5[%swap3A_653, %swap3A_654] {strides = array<i32>} : memref<8x4096xf32, #tpu.memory_space<vmem>>, vector<16xf32>,
      tpu.vector_store %arg5[%swap3A_653, %swap3A_654], %broadcast_in_dim3A_3 {strides = array<i32>} : memref<8x4096xf32, #tpu.memory_space<vmem>>, vector<16xf32>,
      %mul3A_656 = arith.constant 16 : i32
      %mul3A_657 = arith.muli %scan3A_637, %mul3A_656 : i32
      %swap3A_658 = arith.constant 3 : i32
      %swap3A_659 = arith.index_cast %swap3A_658 : i32 to index
      %swap3A_660 = arith.index_cast %mul3A_657 : i32 to index
      %swap3A_661 = tpu.vector_load %arg5[%swap3A_659, %swap3A_660] {strides = array<i32>} : memref<8x4096xf32, #tpu.memory_space<vmem>>, vector<16xf32>,
      tpu.vector_store %arg5[%swap3A_659, %swap3A_660], %broadcast_in_dim3A_3 {strides = array<i32>} : memref<8x4096xf32, #tpu.memory_space<vmem>>, vector<16xf32>,
      %mul3A_662 = arith.constant 16 : i32
      %mul3A_663 = arith.muli %scan3A_637, %mul3A_662 : i32
      %swap3A_664 = arith.constant 4 : i32
      %swap3A_665 = arith.index_cast %swap3A_664 : i32 to index
      %swap3A_666 = arith.index_cast %mul3A_663 : i32 to index
      %swap3A_667 = tpu.vector_load %arg5[%swap3A_665, %swap3A_666] {strides = array<i32>} : memref<8x4096xf32, #tpu.memory_space<vmem>>, vector<16xf32>,
      tpu.vector_store %arg5[%swap3A_665, %swap3A_666], %broadcast_in_dim3A_3 {strides = array<i32>} : memref<8x4096xf32, #tpu.memory_space<vmem>>, vector<16xf32>,
      %mul3A_668 = arith.constant 16 : i32
      %mul3A_669 = arith.muli %scan3A_637, %mul3A_668 : i32
      %swap3A_670 = arith.constant 5 : i32
      %swap3A_671 = arith.index_cast %swap3A_670 : i32 to index
      %swap3A_672 = arith.index_cast %mul3A_669 : i32 to index
      %swap3A_673 = tpu.vector_load %arg5[%swap3A_671, %swap3A_672] {strides = array<i32>} : memref<8x4096xf32, #tpu.memory_space<vmem>>, vector<16xf32>,
      tpu.vector_store %arg5[%swap3A_671, %swap3A_672], %broadcast_in_dim3A_3 {strides = array<i32>} : memref<8x4096xf32, #tpu.memory_space<vmem>>, vector<16xf32>,
      %mul3A_674 = arith.constant 16 : i32
      %mul3A_675 = arith.muli %scan3A_637, %mul3A_674 : i32
      %swap3A_676 = arith.constant 6 : i32
      %swap3A_677 = arith.index_cast %swap3A_676 : i32 to index
      %swap3A_678 = arith.index_cast %mul3A_675 : i32 to index
      %swap3A_679 = tpu.vector_load %arg5[%swap3A_677, %swap3A_678] {strides = array<i32>} : memref<8x4096xf32, #tpu.memory_space<vmem>>, vector<16xf32>,
      tpu.vector_store %arg5[%swap3A_677, %swap3A_678], %broadcast_in_dim3A_3 {strides = array<i32>} : memref<8x4096xf32, #tpu.memory_space<vmem>>, vector<16xf32>,
      %mul3A_680 = arith.constant 16 : i32
      %mul3A_681 = arith.muli %scan3A_637, %mul3A_680 : i32
      %swap3A_682 = arith.constant 7 : i32
      %swap3A_683 = arith.index_cast %swap3A_682 : i32 to index
      %swap3A_684 = arith.index_cast %mul3A_681 : i32 to index
      %swap3A_685 = tpu.vector_load %arg5[%swap3A_683, %swap3A_684] {strides = array<i32>} : memref<8x4096xf32, #tpu.memory_space<vmem>>, vector<16xf32>,
      tpu.vector_store %arg5[%swap3A_683, %swap3A_684], %broadcast_in_dim3A_3 {strides = array<i32>} : memref<8x4096xf32, #tpu.memory_space<vmem>>, vector<16xf32>,
      %scan3A_686 = arith.constant 0 : i32
      %scan3A_687 = arith.constant 3 : i32
      %scan3A_688 = arith.addi %scan3A_535, %scan3A_687 : i32
      %mul3A_689 = arith.constant 16 : i32
      %mul3A_690 = arith.muli %scan3A_688, %mul3A_689 : i32
      %swap3A_691 = arith.constant 0 : i32
      %swap3A_692 = arith.index_cast %swap3A_691 : i32 to index
      %swap3A_693 = arith.index_cast %mul3A_690 : i32 to index
      %swap3A_694 = tpu.vector_load %arg5[%swap3A_692, %swap3A_693] {strides = array<i32>} : memref<8x4096xf32, #tpu.memory_space<vmem>>, vector<16xf32>,
      tpu.vector_store %arg5[%swap3A_692, %swap3A_693], %broadcast_in_dim3A_3 {strides = array<i32>} : memref<8x4096xf32, #tpu.memory_space<vmem>>, vector<16xf32>,
      %mul3A_695 = arith.constant 16 : i32
      %mul3A_696 = arith.muli %scan3A_688, %mul3A_695 : i32
      %swap3A_697 = arith.constant 1 : i32
      %swap3A_698 = arith.index_cast %swap3A_697 : i32 to index
      %swap3A_699 = arith.index_cast %mul3A_696 : i32 to index
      %swap3A_700 = tpu.vector_load %arg5[%swap3A_698, %swap3A_699] {strides = array<i32>} : memref<8x4096xf32, #tpu.memory_space<vmem>>, vector<16xf32>,
      tpu.vector_store %arg5[%swap3A_698, %swap3A_699], %broadcast_in_dim3A_3 {strides = array<i32>} : memref<8x4096xf32, #tpu.memory_space<vmem>>, vector<16xf32>,
      %mul3A_701 = arith.constant 16 : i32
      %mul3A_702 = arith.muli %scan3A_688, %mul3A_701 : i32
      %swap3A_703 = arith.constant 2 : i32
      %swap3A_704 = arith.index_cast %swap3A_703 : i32 to index
      %swap3A_705 = arith.index_cast %mul3A_702 : i32 to index
      %swap3A_706 = tpu.vector_load %arg5[%swap3A_704, %swap3A_705] {strides = array<i32>} : memref<8x4096xf32, #tpu.memory_space<vmem>>, vector<16xf32>,
      tpu.vector_store %arg5[%swap3A_704, %swap3A_705], %broadcast_in_dim3A_3 {strides = array<i32>} : memref<8x4096xf32, #tpu.memory_space<vmem>>, vector<16xf32>,
      %mul3A_707 = arith.constant 16 : i32
      %mul3A_708 = arith.muli %scan3A_688, %mul3A_707 : i32
      %swap3A_709 = arith.constant 3 : i32
      %swap3A_710 = arith.index_cast %swap3A_709 : i32 to index
      %swap3A_711 = arith.index_cast %mul3A_708 : i32 to index
      %swap3A_712 = tpu.vector_load %arg5[%swap3A_710, %swap3A_711] {strides = array<i32>} : memref<8x4096xf32, #tpu.memory_space<vmem>>, vector<16xf32>,
      tpu.vector_store %arg5[%swap3A_710, %swap3A_711], %broadcast_in_dim3A_3 {strides = array<i32>} : memref<8x4096xf32, #tpu.memory_space<vmem>>, vector<16xf32>,
      %mul3A_713 = arith.constant 16 : i32
      %mul3A_714 = arith.muli %scan3A_688, %mul3A_713 : i32
      %swap3A_715 = arith.constant 4 : i32
      %swap3A_716 = arith.index_cast %swap3A_715 : i32 to index
      %swap3A_717 = arith.index_cast %mul3A_714 : i32 to index
      %swap3A_718 = tpu.vector_load %arg5[%swap3A_716, %swap3A_717] {strides = array<i32>} : memref<8x4096xf32, #tpu.memory_space<vmem>>, vector<16xf32>,
      tpu.vector_store %arg5[%swap3A_716, %swap3A_717], %broadcast_in_dim3A_3 {strides = array<i32>} : memref<8x4096xf32, #tpu.memory_space<vmem>>, vector<16xf32>,
      %mul3A_719 = arith.constant 16 : i32
      %mul3A_720 = arith.muli %scan3A_688, %mul3A_719 : i32
      %swap3A_721 = arith.constant 5 : i32
      %swap3A_722 = arith.index_cast %swap3A_721 : i32 to index
      %swap3A_723 = arith.index_cast %mul3A_720 : i32 to index
      %swap3A_724 = tpu.vector_load %arg5[%swap3A_722, %swap3A_723] {strides = array<i32>} : memref<8x4096xf32, #tpu.memory_space<vmem>>, vector<16xf32>,
      tpu.vector_store %arg5[%swap3A_722, %swap3A_723], %broadcast_in_dim3A_3 {strides = array<i32>} : memref<8x4096xf32, #tpu.memory_space<vmem>>, vector<16xf32>,
      %mul3A_725 = arith.constant 16 : i32
      %mul3A_726 = arith.muli %scan3A_688, %mul3A_725 : i32
      %swap3A_727 = arith.constant 6 : i32
      %swap3A_728 = arith.index_cast %swap3A_727 : i32 to index
      %swap3A_729 = arith.index_cast %mul3A_726 : i32 to index
      %swap3A_730 = tpu.vector_load %arg5[%swap3A_728, %swap3A_729] {strides = array<i32>} : memref<8x4096xf32, #tpu.memory_space<vmem>>, vector<16xf32>,
      tpu.vector_store %arg5[%swap3A_728, %swap3A_729], %broadcast_in_dim3A_3 {strides = array<i32>} : memref<8x4096xf32, #tpu.memory_space<vmem>>, vector<16xf32>,
      %mul3A_731 = arith.constant 16 : i32
      %mul3A_732 = arith.muli %scan3A_688, %mul3A_731 : i32
      %swap3A_733 = arith.constant 7 : i32
      %swap3A_734 = arith.index_cast %swap3A_733 : i32 to index
      %swap3A_735 = arith.index_cast %mul3A_732 : i32 to index
      %swap3A_736 = tpu.vector_load %arg5[%swap3A_734, %swap3A_735] {strides = array<i32>} : memref<8x4096xf32, #tpu.memory_space<vmem>>, vector<16xf32>,
      tpu.vector_store %arg5[%swap3A_734, %swap3A_735], %broadcast_in_dim3A_3 {strides = array<i32>} : memref<8x4096xf32, #tpu.memory_space<vmem>>, vector<16xf32>,
      %scan3A_737 = arith.constant 0 : i32
      scf.yield %scan3A_737 : i32
    }
    %scan3A_13 = arith.constant 256 : i32
    %scan3A_14 = arith.constant 0 : i32
    %scan3A_15 = arith.constant 0 : i32
    %scan3A_16 = arith.constant 256 : i32
    %scan3A_17 = arith.addi %scan3A_15, %scan3A_16 : i32
    %scan3A_18 = arith.constant 4 : i32
    %scan3A_19 = scf.for %scan3A_535 = %scan3A_15 to %scan3A_17 step %scan3A_18 iter_args(%scan3A_536 = %scan3A_14) -> (i32)  : i32 {
      %mul3A_537 = arith.constant 16 : i32
      %mul3A_538 = arith.muli %scan3A_535, %mul3A_537 : i32
      %swap3A = arith.constant 0 : i32
      %swap3A_539 = arith.index_cast %swap3A : i32 to index
      %swap3A_540 = arith.index_cast %mul3A_538 : i32 to index
      %swap3A_541 = tpu.vector_load %arg6[%swap3A_539, %swap3A_540] {strides = array<i32>} : memref<8x4096xf32, #tpu.memory_space<vmem>>, vector<16xf32>,
      tpu.vector_store %arg6[%swap3A_539, %swap3A_540], %broadcast_in_dim3A_3 {strides = array<i32>} : memref<8x4096xf32, #tpu.memory_space<vmem>>, vector<16xf32>,
      %mul3A_542 = arith.constant 16 : i32
      %mul3A_543 = arith.muli %scan3A_535, %mul3A_542 : i32
      %swap3A_544 = arith.constant 1 : i32
      %swap3A_545 = arith.index_cast %swap3A_544 : i32 to index
      %swap3A_546 = arith.index_cast %mul3A_543 : i32 to index
      %swap3A_547 = tpu.vector_load %arg6[%swap3A_545, %swap3A_546] {strides = array<i32>} : memref<8x4096xf32, #tpu.memory_space<vmem>>, vector<16xf32>,
      tpu.vector_store %arg6[%swap3A_545, %swap3A_546], %broadcast_in_dim3A_3 {strides = array<i32>} : memref<8x4096xf32, #tpu.memory_space<vmem>>, vector<16xf32>,
      %mul3A_548 = arith.constant 16 : i32
      %mul3A_549 = arith.muli %scan3A_535, %mul3A_548 : i32
      %swap3A_550 = arith.constant 2 : i32
      %swap3A_551 = arith.index_cast %swap3A_550 : i32 to index
      %swap3A_552 = arith.index_cast %mul3A_549 : i32 to index
      %swap3A_553 = tpu.vector_load %arg6[%swap3A_551, %swap3A_552] {strides = array<i32>} : memref<8x4096xf32, #tpu.memory_space<vmem>>, vector<16xf32>,
      tpu.vector_store %arg6[%swap3A_551, %swap3A_552], %broadcast_in_dim3A_3 {strides = array<i32>} : memref<8x4096xf32, #tpu.memory_space<vmem>>, vector<16xf32>,
      %mul3A_554 = arith.constant 16 : i32
      %mul3A_555 = arith.muli %scan3A_535, %mul3A_554 : i32
      %swap3A_556 = arith.constant 3 : i32
      %swap3A_557 = arith.index_cast %swap3A_556 : i32 to index
      %swap3A_558 = arith.index_cast %mul3A_555 : i32 to index
      %swap3A_559 = tpu.vector_load %arg6[%swap3A_557, %swap3A_558] {strides = array<i32>} : memref<8x4096xf32, #tpu.memory_space<vmem>>, vector<16xf32>,
      tpu.vector_store %arg6[%swap3A_557, %swap3A_558], %broadcast_in_dim3A_3 {strides = array<i32>} : memref<8x4096xf32, #tpu.memory_space<vmem>>, vector<16xf32>,
      %mul3A_560 = arith.constant 16 : i32
      %mul3A_561 = arith.muli %scan3A_535, %mul3A_560 : i32
      %swap3A_562 = arith.constant 4 : i32
      %swap3A_563 = arith.index_cast %swap3A_562 : i32 to index
      %swap3A_564 = arith.index_cast %mul3A_561 : i32 to index
      %swap3A_565 = tpu.vector_load %arg6[%swap3A_563, %swap3A_564] {strides = array<i32>} : memref<8x4096xf32, #tpu.memory_space<vmem>>, vector<16xf32>,
      tpu.vector_store %arg6[%swap3A_563, %swap3A_564], %broadcast_in_dim3A_3 {strides = array<i32>} : memref<8x4096xf32, #tpu.memory_space<vmem>>, vector<16xf32>,
      %mul3A_566 = arith.constant 16 : i32
      %mul3A_567 = arith.muli %scan3A_535, %mul3A_566 : i32
      %swap3A_568 = arith.constant 5 : i32
      %swap3A_569 = arith.index_cast %swap3A_568 : i32 to index
      %swap3A_570 = arith.index_cast %mul3A_567 : i32 to index
      %swap3A_571 = tpu.vector_load %arg6[%swap3A_569, %swap3A_570] {strides = array<i32>} : memref<8x4096xf32, #tpu.memory_space<vmem>>, vector<16xf32>,
      tpu.vector_store %arg6[%swap3A_569, %swap3A_570], %broadcast_in_dim3A_3 {strides = array<i32>} : memref<8x4096xf32, #tpu.memory_space<vmem>>, vector<16xf32>,
      %mul3A_572 = arith.constant 16 : i32
      %mul3A_573 = arith.muli %scan3A_535, %mul3A_572 : i32
      %swap3A_574 = arith.constant 6 : i32
      %swap3A_575 = arith.index_cast %swap3A_574 : i32 to index
      %swap3A_576 = arith.index_cast %mul3A_573 : i32 to index
      %swap3A_577 = tpu.vector_load %arg6[%swap3A_575, %swap3A_576] {strides = array<i32>} : memref<8x4096xf32, #tpu.memory_space<vmem>>, vector<16xf32>,
      tpu.vector_store %arg6[%swap3A_575, %swap3A_576], %broadcast_in_dim3A_3 {strides = array<i32>} : memref<8x4096xf32, #tpu.memory_space<vmem>>, vector<16xf32>,
      %mul3A_578 = arith.constant 16 : i32
      %mul3A_579 = arith.muli %scan3A_535, %mul3A_578 : i32
      %swap3A_580 = arith.constant 7 : i32
      %swap3A_581 = arith.index_cast %swap3A_580 : i32 to index
      %swap3A_582 = arith.index_cast %mul3A_579 : i32 to index
      %swap3A_583 = tpu.vector_load %arg6[%swap3A_581, %swap3A_582] {strides = array<i32>} : memref<8x4096xf32, #tpu.memory_space<vmem>>, vector<16xf32>,
      tpu.vector_store %arg6[%swap3A_581, %swap3A_582], %broadcast_in_dim3A_3 {strides = array<i32>} : memref<8x4096xf32, #tpu.memory_space<vmem>>, vector<16xf32>,
      %scan3A_584 = arith.constant 0 : i32
      %scan3A_585 = arith.constant 1 : i32
      %scan3A_586 = arith.addi %scan3A_535, %scan3A_585 : i32
      %mul3A_587 = arith.constant 16 : i32
      %mul3A_588 = arith.muli %scan3A_586, %mul3A_587 : i32
      %swap3A_589 = arith.constant 0 : i32
      %swap3A_590 = arith.index_cast %swap3A_589 : i32 to index
      %swap3A_591 = arith.index_cast %mul3A_588 : i32 to index
      %swap3A_592 = tpu.vector_load %arg6[%swap3A_590, %swap3A_591] {strides = array<i32>} : memref<8x4096xf32, #tpu.memory_space<vmem>>, vector<16xf32>,
      tpu.vector_store %arg6[%swap3A_590, %swap3A_591], %broadcast_in_dim3A_3 {strides = array<i32>} : memref<8x4096xf32, #tpu.memory_space<vmem>>, vector<16xf32>,
      %mul3A_593 = arith.constant 16 : i32
      %mul3A_594 = arith.muli %scan3A_586, %mul3A_593 : i32
      %swap3A_595 = arith.constant 1 : i32
      %swap3A_596 = arith.index_cast %swap3A_595 : i32 to index
      %swap3A_597 = arith.index_cast %mul3A_594 : i32 to index
      %swap3A_598 = tpu.vector_load %arg6[%swap3A_596, %swap3A_597] {strides = array<i32>} : memref<8x4096xf32, #tpu.memory_space<vmem>>, vector<16xf32>,
      tpu.vector_store %arg6[%swap3A_596, %swap3A_597], %broadcast_in_dim3A_3 {strides = array<i32>} : memref<8x4096xf32, #tpu.memory_space<vmem>>, vector<16xf32>,
      %mul3A_599 = arith.constant 16 : i32
      %mul3A_600 = arith.muli %scan3A_586, %mul3A_599 : i32
      %swap3A_601 = arith.constant 2 : i32
      %swap3A_602 = arith.index_cast %swap3A_601 : i32 to index
      %swap3A_603 = arith.index_cast %mul3A_600 : i32 to index
      %swap3A_604 = tpu.vector_load %arg6[%swap3A_602, %swap3A_603] {strides = array<i32>} : memref<8x4096xf32, #tpu.memory_space<vmem>>, vector<16xf32>,
      tpu.vector_store %arg6[%swap3A_602, %swap3A_603], %broadcast_in_dim3A_3 {strides = array<i32>} : memref<8x4096xf32, #tpu.memory_space<vmem>>, vector<16xf32>,
      %mul3A_605 = arith.constant 16 : i32
      %mul3A_606 = arith.muli %scan3A_586, %mul3A_605 : i32
      %swap3A_607 = arith.constant 3 : i32
      %swap3A_608 = arith.index_cast %swap3A_607 : i32 to index
      %swap3A_609 = arith.index_cast %mul3A_606 : i32 to index
      %swap3A_610 = tpu.vector_load %arg6[%swap3A_608, %swap3A_609] {strides = array<i32>} : memref<8x4096xf32, #tpu.memory_space<vmem>>, vector<16xf32>,
      tpu.vector_store %arg6[%swap3A_608, %swap3A_609], %broadcast_in_dim3A_3 {strides = array<i32>} : memref<8x4096xf32, #tpu.memory_space<vmem>>, vector<16xf32>,
      %mul3A_611 = arith.constant 16 : i32
      %mul3A_612 = arith.muli %scan3A_586, %mul3A_611 : i32
      %swap3A_613 = arith.constant 4 : i32
      %swap3A_614 = arith.index_cast %swap3A_613 : i32 to index
      %swap3A_615 = arith.index_cast %mul3A_612 : i32 to index
      %swap3A_616 = tpu.vector_load %arg6[%swap3A_614, %swap3A_615] {strides = array<i32>} : memref<8x4096xf32, #tpu.memory_space<vmem>>, vector<16xf32>,
      tpu.vector_store %arg6[%swap3A_614, %swap3A_615], %broadcast_in_dim3A_3 {strides = array<i32>} : memref<8x4096xf32, #tpu.memory_space<vmem>>, vector<16xf32>,
      %mul3A_617 = arith.constant 16 : i32
      %mul3A_618 = arith.muli %scan3A_586, %mul3A_617 : i32
      %swap3A_619 = arith.constant 5 : i32
      %swap3A_620 = arith.index_cast %swap3A_619 : i32 to index
      %swap3A_621 = arith.index_cast %mul3A_618 : i32 to index
      %swap3A_622 = tpu.vector_load %arg6[%swap3A_620, %swap3A_621] {strides = array<i32>} : memref<8x4096xf32, #tpu.memory_space<vmem>>, vector<16xf32>,
      tpu.vector_store %arg6[%swap3A_620, %swap3A_621], %broadcast_in_dim3A_3 {strides = array<i32>} : memref<8x4096xf32, #tpu.memory_space<vmem>>, vector<16xf32>,
      %mul3A_623 = arith.constant 16 : i32
      %mul3A_624 = arith.muli %scan3A_586, %mul3A_623 : i32
      %swap3A_625 = arith.constant 6 : i32
      %swap3A_626 = arith.index_cast %swap3A_625 : i32 to index
      %swap3A_627 = arith.index_cast %mul3A_624 : i32 to index
      %swap3A_628 = tpu.vector_load %arg6[%swap3A_626, %swap3A_627] {strides = array<i32>} : memref<8x4096xf32, #tpu.memory_space<vmem>>, vector<16xf32>,
      tpu.vector_store %arg6[%swap3A_626, %swap3A_627], %broadcast_in_dim3A_3 {strides = array<i32>} : memref<8x4096xf32, #tpu.memory_space<vmem>>, vector<16xf32>,
      %mul3A_629 = arith.constant 16 : i32
      %mul3A_630 = arith.muli %scan3A_586, %mul3A_629 : i32
      %swap3A_631 = arith.constant 7 : i32
      %swap3A_632 = arith.index_cast %swap3A_631 : i32 to index
      %swap3A_633 = arith.index_cast %mul3A_630 : i32 to index
      %swap3A_634 = tpu.vector_load %arg6[%swap3A_632, %swap3A_633] {strides = array<i32>} : memref<8x4096xf32, #tpu.memory_space<vmem>>, vector<16xf32>,
      tpu.vector_store %arg6[%swap3A_632, %swap3A_633], %broadcast_in_dim3A_3 {strides = array<i32>} : memref<8x4096xf32, #tpu.memory_space<vmem>>, vector<16xf32>,
      %scan3A_635 = arith.constant 0 : i32
      %scan3A_636 = arith.constant 2 : i32
      %scan3A_637 = arith.addi %scan3A_535, %scan3A_636 : i32
      %mul3A_638 = arith.constant 16 : i32
      %mul3A_639 = arith.muli %scan3A_637, %mul3A_638 : i32
      %swap3A_640 = arith.constant 0 : i32
      %swap3A_641 = arith.index_cast %swap3A_640 : i32 to index
      %swap3A_642 = arith.index_cast %mul3A_639 : i32 to index
      %swap3A_643 = tpu.vector_load %arg6[%swap3A_641, %swap3A_642] {strides = array<i32>} : memref<8x4096xf32, #tpu.memory_space<vmem>>, vector<16xf32>,
      tpu.vector_store %arg6[%swap3A_641, %swap3A_642], %broadcast_in_dim3A_3 {strides = array<i32>} : memref<8x4096xf32, #tpu.memory_space<vmem>>, vector<16xf32>,
      %mul3A_644 = arith.constant 16 : i32
      %mul3A_645 = arith.muli %scan3A_637, %mul3A_644 : i32
      %swap3A_646 = arith.constant 1 : i32
      %swap3A_647 = arith.index_cast %swap3A_646 : i32 to index
      %swap3A_648 = arith.index_cast %mul3A_645 : i32 to index
      %swap3A_649 = tpu.vector_load %arg6[%swap3A_647, %swap3A_648] {strides = array<i32>} : memref<8x4096xf32, #tpu.memory_space<vmem>>, vector<16xf32>,
      tpu.vector_store %arg6[%swap3A_647, %swap3A_648], %broadcast_in_dim3A_3 {strides = array<i32>} : memref<8x4096xf32, #tpu.memory_space<vmem>>, vector<16xf32>,
      %mul3A_650 = arith.constant 16 : i32
      %mul3A_651 = arith.muli %scan3A_637, %mul3A_650 : i32
      %swap3A_652 = arith.constant 2 : i32
      %swap3A_653 = arith.index_cast %swap3A_652 : i32 to index
      %swap3A_654 = arith.index_cast %mul3A_651 : i32 to index
      %swap3A_655 = tpu.vector_load %arg6[%swap3A_653, %swap3A_654] {strides = array<i32>} : memref<8x4096xf32, #tpu.memory_space<vmem>>, vector<16xf32>,
      tpu.vector_store %arg6[%swap3A_653, %swap3A_654], %broadcast_in_dim3A_3 {strides = array<i32>} : memref<8x4096xf32, #tpu.memory_space<vmem>>, vector<16xf32>,
      %mul3A_656 = arith.constant 16 : i32
      %mul3A_657 = arith.muli %scan3A_637, %mul3A_656 : i32
      %swap3A_658 = arith.constant 3 : i32
      %swap3A_659 = arith.index_cast %swap3A_658 : i32 to index
      %swap3A_660 = arith.index_cast %mul3A_657 : i32 to index
      %swap3A_661 = tpu.vector_load %arg6[%swap3A_659, %swap3A_660] {strides = array<i32>} : memref<8x4096xf32, #tpu.memory_space<vmem>>, vector<16xf32>,
      tpu.vector_store %arg6[%swap3A_659, %swap3A_660], %broadcast_in_dim3A_3 {strides = array<i32>} : memref<8x4096xf32, #tpu.memory_space<vmem>>, vector<16xf32>,
      %mul3A_662 = arith.constant 16 : i32
      %mul3A_663 = arith.muli %scan3A_637, %mul3A_662 : i32
      %swap3A_664 = arith.constant 4 : i32
      %swap3A_665 = arith.index_cast %swap3A_664 : i32 to index
      %swap3A_666 = arith.index_cast %mul3A_663 : i32 to index
      %swap3A_667 = tpu.vector_load %arg6[%swap3A_665, %swap3A_666] {strides = array<i32>} : memref<8x4096xf32, #tpu.memory_space<vmem>>, vector<16xf32>,
      tpu.vector_store %arg6[%swap3A_665, %swap3A_666], %broadcast_in_dim3A_3 {strides = array<i32>} : memref<8x4096xf32, #tpu.memory_space<vmem>>, vector<16xf32>,
      %mul3A_668 = arith.constant 16 : i32
      %mul3A_669 = arith.muli %scan3A_637, %mul3A_668 : i32
      %swap3A_670 = arith.constant 5 : i32
      %swap3A_671 = arith.index_cast %swap3A_670 : i32 to index
      %swap3A_672 = arith.index_cast %mul3A_669 : i32 to index
      %swap3A_673 = tpu.vector_load %arg6[%swap3A_671, %swap3A_672] {strides = array<i32>} : memref<8x4096xf32, #tpu.memory_space<vmem>>, vector<16xf32>,
      tpu.vector_store %arg6[%swap3A_671, %swap3A_672], %broadcast_in_dim3A_3 {strides = array<i32>} : memref<8x4096xf32, #tpu.memory_space<vmem>>, vector<16xf32>,
      %mul3A_674 = arith.constant 16 : i32
      %mul3A_675 = arith.muli %scan3A_637, %mul3A_674 : i32
      %swap3A_676 = arith.constant 6 : i32
      %swap3A_677 = arith.index_cast %swap3A_676 : i32 to index
      %swap3A_678 = arith.index_cast %mul3A_675 : i32 to index
      %swap3A_679 = tpu.vector_load %arg6[%swap3A_677, %swap3A_678] {strides = array<i32>} : memref<8x4096xf32, #tpu.memory_space<vmem>>, vector<16xf32>,
      tpu.vector_store %arg6[%swap3A_677, %swap3A_678], %broadcast_in_dim3A_3 {strides = array<i32>} : memref<8x4096xf32, #tpu.memory_space<vmem>>, vector<16xf32>,
      %mul3A_680 = arith.constant 16 : i32
      %mul3A_681 = arith.muli %scan3A_637, %mul3A_680 : i32
      %swap3A_682 = arith.constant 7 : i32
      %swap3A_683 = arith.index_cast %swap3A_682 : i32 to index
      %swap3A_684 = arith.index_cast %mul3A_681 : i32 to index
      %swap3A_685 = tpu.vector_load %arg6[%swap3A_683, %swap3A_684] {strides = array<i32>} : memref<8x4096xf32, #tpu.memory_space<vmem>>, vector<16xf32>,
      tpu.vector_store %arg6[%swap3A_683, %swap3A_684], %broadcast_in_dim3A_3 {strides = array<i32>} : memref<8x4096xf32, #tpu.memory_space<vmem>>, vector<16xf32>,
      %scan3A_686 = arith.constant 0 : i32
      %scan3A_687 = arith.constant 3 : i32
      %scan3A_688 = arith.addi %scan3A_535, %scan3A_687 : i32
      %mul3A_689 = arith.constant 16 : i32
      %mul3A_690 = arith.muli %scan3A_688, %mul3A_689 : i32
      %swap3A_691 = arith.constant 0 : i32
      %swap3A_692 = arith.index_cast %swap3A_691 : i32 to index
      %swap3A_693 = arith.index_cast %mul3A_690 : i32 to index
      %swap3A_694 = tpu.vector_load %arg6[%swap3A_692, %swap3A_693] {strides = array<i32>} : memref<8x4096xf32, #tpu.memory_space<vmem>>, vector<16xf32>,
      tpu.vector_store %arg6[%swap3A_692, %swap3A_693], %broadcast_in_dim3A_3 {strides = array<i32>} : memref<8x4096xf32, #tpu.memory_space<vmem>>, vector<16xf32>,
      %mul3A_695 = arith.constant 16 : i32
      %mul3A_696 = arith.muli %scan3A_688, %mul3A_695 : i32
      %swap3A_697 = arith.constant 1 : i32
      %swap3A_698 = arith.index_cast %swap3A_697 : i32 to index
      %swap3A_699 = arith.index_cast %mul3A_696 : i32 to index
      %swap3A_700 = tpu.vector_load %arg6[%swap3A_698, %swap3A_699] {strides = array<i32>} : memref<8x4096xf32, #tpu.memory_space<vmem>>, vector<16xf32>,
      tpu.vector_store %arg6[%swap3A_698, %swap3A_699], %broadcast_in_dim3A_3 {strides = array<i32>} : memref<8x4096xf32, #tpu.memory_space<vmem>>, vector<16xf32>,
      %mul3A_701 = arith.constant 16 : i32
      %mul3A_702 = arith.muli %scan3A_688, %mul3A_701 : i32
      %swap3A_703 = arith.constant 2 : i32
      %swap3A_704 = arith.index_cast %swap3A_703 : i32 to index
      %swap3A_705 = arith.index_cast %mul3A_702 : i32 to index
      %swap3A_706 = tpu.vector_load %arg6[%swap3A_704, %swap3A_705] {strides = array<i32>} : memref<8x4096xf32, #tpu.memory_space<vmem>>, vector<16xf32>,
      tpu.vector_store %arg6[%swap3A_704, %swap3A_705], %broadcast_in_dim3A_3 {strides = array<i32>} : memref<8x4096xf32, #tpu.memory_space<vmem>>, vector<16xf32>,
      %mul3A_707 = arith.constant 16 : i32
      %mul3A_708 = arith.muli %scan3A_688, %mul3A_707 : i32
      %swap3A_709 = arith.constant 3 : i32
      %swap3A_710 = arith.index_cast %swap3A_709 : i32 to index
      %swap3A_711 = arith.index_cast %mul3A_708 : i32 to index
      %swap3A_712 = tpu.vector_load %arg6[%swap3A_710, %swap3A_711] {strides = array<i32>} : memref<8x4096xf32, #tpu.memory_space<vmem>>, vector<16xf32>,
      tpu.vector_store %arg6[%swap3A_710, %swap3A_711], %broadcast_in_dim3A_3 {strides = array<i32>} : memref<8x4096xf32, #tpu.memory_space<vmem>>, vector<16xf32>,
      %mul3A_713 = arith.constant 16 : i32
      %mul3A_714 = arith.muli %scan3A_688, %mul3A_713 : i32
      %swap3A_715 = arith.constant 4 : i32
      %swap3A_716 = arith.index_cast %swap3A_715 : i32 to index
      %swap3A_717 = arith.index_cast %mul3A_714 : i32 to index
      %swap3A_718 = tpu.vector_load %arg6[%swap3A_716, %swap3A_717] {strides = array<i32>} : memref<8x4096xf32, #tpu.memory_space<vmem>>, vector<16xf32>,
      tpu.vector_store %arg6[%swap3A_716, %swap3A_717], %broadcast_in_dim3A_3 {strides = array<i32>} : memref<8x4096xf32, #tpu.memory_space<vmem>>, vector<16xf32>,
      %mul3A_719 = arith.constant 16 : i32
      %mul3A_720 = arith.muli %scan3A_688, %mul3A_719 : i32
      %swap3A_721 = arith.constant 5 : i32
      %swap3A_722 = arith.index_cast %swap3A_721 : i32 to index
      %swap3A_723 = arith.index_cast %mul3A_720 : i32 to index
      %swap3A_724 = tpu.vector_load %arg6[%swap3A_722, %swap3A_723] {strides = array<i32>} : memref<8x4096xf32, #tpu.memory_space<vmem>>, vector<16xf32>,
      tpu.vector_store %arg6[%swap3A_722, %swap3A_723], %broadcast_in_dim3A_3 {strides = array<i32>} : memref<8x4096xf32, #tpu.memory_space<vmem>>, vector<16xf32>,
      %mul3A_725 = arith.constant 16 : i32
      %mul3A_726 = arith.muli %scan3A_688, %mul3A_725 : i32
      %swap3A_727 = arith.constant 6 : i32
      %swap3A_728 = arith.index_cast %swap3A_727 : i32 to index
      %swap3A_729 = arith.index_cast %mul3A_726 : i32 to index
      %swap3A_730 = tpu.vector_load %arg6[%swap3A_728, %swap3A_729] {strides = array<i32>} : memref<8x4096xf32, #tpu.memory_space<vmem>>, vector<16xf32>,
      tpu.vector_store %arg6[%swap3A_728, %swap3A_729], %broadcast_in_dim3A_3 {strides = array<i32>} : memref<8x4096xf32, #tpu.memory_space<vmem>>, vector<16xf32>,
      %mul3A_731 = arith.constant 16 : i32
      %mul3A_732 = arith.muli %scan3A_688, %mul3A_731 : i32
      %swap3A_733 = arith.constant 7 : i32
      %swap3A_734 = arith.index_cast %swap3A_733 : i32 to index
      %swap3A_735 = arith.index_cast %mul3A_732 : i32 to index
      %swap3A_736 = tpu.vector_load %arg6[%swap3A_734, %swap3A_735] {strides = array<i32>} : memref<8x4096xf32, #tpu.memory_space<vmem>>, vector<16xf32>,
      tpu.vector_store %arg6[%swap3A_734, %swap3A_735], %broadcast_in_dim3A_3 {strides = array<i32>} : memref<8x4096xf32, #tpu.memory_space<vmem>>, vector<16xf32>,
      %scan3A_737 = arith.constant 0 : i32
      scf.yield %scan3A_737 : i32
    }
    %scan3A_20 = arith.constant 256 : i32
    %get3A = arith.constant 0 : index
    %get3A_21 = tpu.vector_load %arg4[%get3A] {strides = array<i32>} : memref<128xi32, #tpu.memory_space<vmem>>, vector<16xi32>,
    %sub3A = arith.constant 0 : i32
    %sub3A_22 = vector.broadcast %sub3A : i32 to vector<16xi32>
    %sub3A_23 = arith.subi %iota3A, %sub3A_22 : vector<16xi32>
    %ge3A = arith.constant 0 : i32
    %ge3A_24 = vector.broadcast %ge3A : i32 to vector<16xi32>
    %ge3A_25 = arith.cmpi sge, %sub3A_23, %ge3A_24 : vector<16xi32>
    %lt3A_26 = arith.constant 8 : i32
    %lt3A_27 = vector.broadcast %lt3A_26 : i32 to vector<16xi32>
    %lt3A_28 = arith.cmpi slt, %sub3A_23, %lt3A_27 : vector<16xi32>
    %and3A = arith.andi %ge3A_25, %lt3A_28 : vector<16xi1>
    tpu.vector_store_idx %arg5[%sub3A_23, %get3A_21], %broadcast_in_dim3A_5 masked %and3A : memref<8x4096xf32, #tpu.memory_space<vmem>>[vector<16xi32>, vector<16xi32>], vector<16xf32>, vector<16xi1>
    %add3A_29 = arith.constant 0 : i32
    %add3A_30 = arith.addi %mul3A_2, %add3A_29 : i32
    %dma_start3A = arith.constant 0 : i32
    %dma_start3A_31 = tpu.memref_slice %arg3[%add3A_30, %dma_start3A] : memref<4096x4096xf32, #tpu.memory_space<hbm>> -> memref<8x4096xf32, #tpu.memory_space<hbm>>
    %dma_start3A_32 = arith.constant 0 : i32
    %dma_start3A_33 = tpu.memref_slice %arg3[%add3A_30, %dma_start3A_32] : memref<4096x4096xf32, #tpu.memory_space<hbm>> -> memref<8x4096xf32, #tpu.memory_space<hbm>>
    tpu.enqueue_dma source(%arg5 : memref<8x4096xf32, #tpu.memory_space<vmem>>) target(%dma_start3A_33 : memref<8x4096xf32, #tpu.memory_space<hbm>>) target_semaphore(%arg7 : memref<!tpu.dma_semaphore, #tpu.memory_space<semaphore_mem>>)
    %get3A_34 = arith.constant 8 : index
    %get3A_35 = tpu.vector_load %arg4[%get3A_34] {strides = array<i32>} : memref<128xi32, #tpu.memory_space<vmem>>, vector<16xi32>,
    %sub3A_36 = arith.constant 0 : i32
    %sub3A_37 = vector.broadcast %sub3A_36 : i32 to vector<16xi32>
    %sub3A_38 = arith.subi %iota3A, %sub3A_37 : vector<16xi32>
    %ge3A_39 = arith.constant 0 : i32
    %ge3A_40 = vector.broadcast %ge3A_39 : i32 to vector<16xi32>
    %ge3A_41 = arith.cmpi sge, %sub3A_38, %ge3A_40 : vector<16xi32>
    %lt3A_42 = arith.constant 8 : i32
    %lt3A_43 = vector.broadcast %lt3A_42 : i32 to vector<16xi32>
    %lt3A_44 = arith.cmpi slt, %sub3A_38, %lt3A_43 : vector<16xi32>
    %and3A_45 = arith.andi %ge3A_41, %lt3A_44 : vector<16xi1>
    tpu.vector_store_idx %arg6[%sub3A_38, %get3A_35], %broadcast_in_dim3A_5 masked %and3A_45 : memref<8x4096xf32, #tpu.memory_space<vmem>>[vector<16xi32>, vector<16xi32>], vector<16xf32>, vector<16xi1>
    %add3A_46 = arith.constant 8 : i32
    %add3A_47 = arith.addi %mul3A_2, %add3A_46 : i32
    %dma_start3A_48 = arith.constant 0 : i32
    %dma_start3A_49 = tpu.memref_slice %arg3[%add3A_47, %dma_start3A_48] : memref<4096x4096xf32, #tpu.memory_space<hbm>> -> memref<8x4096xf32, #tpu.memory_space<hbm>>
    %dma_start3A_50 = arith.constant 0 : i32
    %dma_start3A_51 = tpu.memref_slice %arg3[%add3A_47, %dma_start3A_50] : memref<4096x4096xf32, #tpu.memory_space<hbm>> -> memref<8x4096xf32, #tpu.memory_space<hbm>>
    tpu.enqueue_dma source(%arg6 : memref<8x4096xf32, #tpu.memory_space<vmem>>) target(%dma_start3A_51 : memref<8x4096xf32, #tpu.memory_space<hbm>>) target_semaphore(%arg8 : memref<!tpu.dma_semaphore, #tpu.memory_space<semaphore_mem>>)
    %dma_wait3A = arith.constant 0 : i32
    %dma_wait3A_52 = tpu.memref_slice %arg3[%add3A_30, %dma_wait3A] : memref<4096x4096xf32, #tpu.memory_space<hbm>> -> memref<8x4096xf32, #tpu.memory_space<hbm>>
    %dma_wait3A_53 = arith.constant 0 : i32
    %dma_wait3A_54 = tpu.memref_slice %arg3[%add3A_30, %dma_wait3A_53] : memref<4096x4096xf32, #tpu.memory_space<hbm>> -> memref<8x4096xf32, #tpu.memory_space<hbm>>
    tpu.wait_dma2 semaphore(%arg7 : memref<!tpu.dma_semaphore, #tpu.memory_space<semaphore_mem>>) src(%arg5 : memref<8x4096xf32, #tpu.memory_space<vmem>>) dst(%dma_wait3A_54 : memref<8x4096xf32, #tpu.memory_space<hbm>>)
    %get3A_55 = arith.constant 0 : index
    %get3A_56 = tpu.vector_load %arg4[%get3A_55] {strides = array<i32>} : memref<128xi32, #tpu.memory_space<vmem>>, vector<16xi32>,
    %sub3A_57 = arith.constant 0 : i32
    %sub3A_58 = vector.broadcast %sub3A_57 : i32 to vector<16xi32>
    %sub3A_59 = arith.subi %iota3A, %sub3A_58 : vector<16xi32>
    %ge3A_60 = arith.constant 0 : i32
    %ge3A_61 = vector.broadcast %ge3A_60 : i32 to vector<16xi32>
    %ge3A_62 = arith.cmpi sge, %sub3A_59, %ge3A_61 : vector<16xi32>
    %lt3A_63 = arith.constant 8 : i32
    %lt3A_64 = vector.broadcast %lt3A_63 : i32 to vector<16xi32>
    %lt3A_65 = arith.cmpi slt, %sub3A_59, %lt3A_64 : vector<16xi32>
    %and3A_66 = arith.andi %ge3A_62, %lt3A_65 : vector<16xi1>
    tpu.vector_store_idx %arg5[%sub3A_59, %get3A_56], %broadcast_in_dim3A_3 masked %and3A_66 : memref<8x4096xf32, #tpu.memory_space<vmem>>[vector<16xi32>, vector<16xi32>], vector<16xf32>, vector<16xi1>
    %get3A_67 = arith.constant 16 : index
    %get3A_68 = tpu.vector_load %arg4[%get3A_67] {strides = array<i32>} : memref<128xi32, #tpu.memory_space<vmem>>, vector<16xi32>,
    %sub3A_69 = arith.constant 0 : i32
    %sub3A_70 = vector.broadcast %sub3A_69 : i32 to vector<16xi32>
    %sub3A_71 = arith.subi %iota3A, %sub3A_70 : vector<16xi32>
    %ge3A_72 = arith.constant 0 : i32
    %ge3A_73 = vector.broadcast %ge3A_72 : i32 to vector<16xi32>
    %ge3A_74 = arith.cmpi sge, %sub3A_71, %ge3A_73 : vector<16xi32>
    %lt3A_75 = arith.constant 8 : i32
    %lt3A_76 = vector.broadcast %lt3A_75 : i32 to vector<16xi32>
    %lt3A_77 = arith.cmpi slt, %sub3A_71, %lt3A_76 : vector<16xi32>
    %and3A_78 = arith.andi %ge3A_74, %lt3A_77 : vector<16xi1>
    tpu.vector_store_idx %arg5[%sub3A_71, %get3A_68], %broadcast_in_dim3A_5 masked %and3A_78 : memref<8x4096xf32, #tpu.memory_space<vmem>>[vector<16xi32>, vector<16xi32>], vector<16xf32>, vector<16xi1>
    %add3A_79 = arith.constant 16 : i32
    %add3A_80 = arith.addi %mul3A_2, %add3A_79 : i32
    %dma_start3A_81 = arith.constant 0 : i32
    %dma_start3A_82 = tpu.memref_slice %arg3[%add3A_80, %dma_start3A_81] : memref<4096x4096xf32, #tpu.memory_space<hbm>> -> memref<8x4096xf32, #tpu.memory_space<hbm>>
    %dma_start3A_83 = arith.constant 0 : i32
    %dma_start3A_84 = tpu.memref_slice %arg3[%add3A_80, %dma_start3A_83] : memref<4096x4096xf32, #tpu.memory_space<hbm>> -> memref<8x4096xf32, #tpu.memory_space<hbm>>
    tpu.enqueue_dma source(%arg5 : memref<8x4096xf32, #tpu.memory_space<vmem>>) target(%dma_start3A_84 : memref<8x4096xf32, #tpu.memory_space<hbm>>) target_semaphore(%arg7 : memref<!tpu.dma_semaphore, #tpu.memory_space<semaphore_mem>>)
    %dma_wait3A_85 = arith.constant 0 : i32
    %dma_wait3A_86 = tpu.memref_slice %arg3[%add3A_47, %dma_wait3A_85] : memref<4096x4096xf32, #tpu.memory_space<hbm>> -> memref<8x4096xf32, #tpu.memory_space<hbm>>
    %dma_wait3A_87 = arith.constant 0 : i32
    %dma_wait3A_88 = tpu.memref_slice %arg3[%add3A_47, %dma_wait3A_87] : memref<4096x4096xf32, #tpu.memory_space<hbm>> -> memref<8x4096xf32, #tpu.memory_space<hbm>>
    tpu.wait_dma2 semaphore(%arg8 : memref<!tpu.dma_semaphore, #tpu.memory_space<semaphore_mem>>) src(%arg6 : memref<8x4096xf32, #tpu.memory_space<vmem>>) dst(%dma_wait3A_88 : memref<8x4096xf32, #tpu.memory_space<hbm>>)
    %get3A_89 = arith.constant 8 : index
    %get3A_90 = tpu.vector_load %arg4[%get3A_89] {strides = array<i32>} : memref<128xi32, #tpu.memory_space<vmem>>, vector<16xi32>,
    %sub3A_91 = arith.constant 0 : i32
    %sub3A_92 = vector.broadcast %sub3A_91 : i32 to vector<16xi32>
    %sub3A_93 = arith.subi %iota3A, %sub3A_92 : vector<16xi32>
    %ge3A_94 = arith.constant 0 : i32
    %ge3A_95 = vector.broadcast %ge3A_94 : i32 to vector<16xi32>
    %ge3A_96 = arith.cmpi sge, %sub3A_93, %ge3A_95 : vector<16xi32>
    %lt3A_97 = arith.constant 8 : i32
    %lt3A_98 = vector.broadcast %lt3A_97 : i32 to vector<16xi32>
    %lt3A_99 = arith.cmpi slt, %sub3A_93, %lt3A_98 : vector<16xi32>
    %and3A_100 = arith.andi %ge3A_96, %lt3A_99 : vector<16xi1>
    tpu.vector_store_idx %arg6[%sub3A_93, %get3A_90], %broadcast_in_dim3A_3 masked %and3A_100 : memref<8x4096xf32, #tpu.memory_space<vmem>>[vector<16xi32>, vector<16xi32>], vector<16xf32>, vector<16xi1>
    %get3A_101 = arith.constant 24 : index
    %get3A_102 = tpu.vector_load %arg4[%get3A_101] {strides = array<i32>} : memref<128xi32, #tpu.memory_space<vmem>>, vector<16xi32>,
    %sub3A_103 = arith.constant 0 : i32
    %sub3A_104 = vector.broadcast %sub3A_103 : i32 to vector<16xi32>
    %sub3A_105 = arith.subi %iota3A, %sub3A_104 : vector<16xi32>
    %ge3A_106 = arith.constant 0 : i32
    %ge3A_107 = vector.broadcast %ge3A_106 : i32 to vector<16xi32>
    %ge3A_108 = arith.cmpi sge, %sub3A_105, %ge3A_107 : vector<16xi32>
    %lt3A_109 = arith.constant 8 : i32
    %lt3A_110 = vector.broadcast %lt3A_109 : i32 to vector<16xi32>
    %lt3A_111 = arith.cmpi slt, %sub3A_105, %lt3A_110 : vector<16xi32>
    %and3A_112 = arith.andi %ge3A_108, %lt3A_111 : vector<16xi1>
    tpu.vector_store_idx %arg6[%sub3A_105, %get3A_102], %broadcast_in_dim3A_5 masked %and3A_112 : memref<8x4096xf32, #tpu.memory_space<vmem>>[vector<16xi32>, vector<16xi32>], vector<16xf32>, vector<16xi1>
    %add3A_113 = arith.constant 24 : i32
    %add3A_114 = arith.addi %mul3A_2, %add3A_113 : i32
    %dma_start3A_115 = arith.constant 0 : i32
    %dma_start3A_116 = tpu.memref_slice %arg3[%add3A_114, %dma_start3A_115] : memref<4096x4096xf32, #tpu.memory_space<hbm>> -> memref<8x4096xf32, #tpu.memory_space<hbm>>
    %dma_start3A_117 = arith.constant 0 : i32
    %dma_start3A_118 = tpu.memref_slice %arg3[%add3A_114, %dma_start3A_117] : memref<4096x4096xf32, #tpu.memory_space<hbm>> -> memref<8x4096xf32, #tpu.memory_space<hbm>>
    tpu.enqueue_dma source(%arg6 : memref<8x4096xf32, #tpu.memory_space<vmem>>) target(%dma_start3A_118 : memref<8x4096xf32, #tpu.memory_space<hbm>>) target_semaphore(%arg8 : memref<!tpu.dma_semaphore, #tpu.memory_space<semaphore_mem>>)
    %dma_wait3A_119 = arith.constant 0 : i32
    %dma_wait3A_120 = tpu.memref_slice %arg3[%add3A_80, %dma_wait3A_119] : memref<4096x4096xf32, #tpu.memory_space<hbm>> -> memref<8x4096xf32, #tpu.memory_space<hbm>>
    %dma_wait3A_121 = arith.constant 0 : i32
    %dma_wait3A_122 = tpu.memref_slice %arg3[%add3A_80, %dma_wait3A_121] : memref<4096x4096xf32, #tpu.memory_space<hbm>> -> memref<8x4096xf32, #tpu.memory_space<hbm>>
    tpu.wait_dma2 semaphore(%arg7 : memref<!tpu.dma_semaphore, #tpu.memory_space<semaphore_mem>>) src(%arg5 : memref<8x4096xf32, #tpu.memory_space<vmem>>) dst(%dma_wait3A_122 : memref<8x4096xf32, #tpu.memory_space<hbm>>)
    %get3A_123 = arith.constant 16 : index
    %get3A_124 = tpu.vector_load %arg4[%get3A_123] {strides = array<i32>} : memref<128xi32, #tpu.memory_space<vmem>>, vector<16xi32>,
    %sub3A_125 = arith.constant 0 : i32
    %sub3A_126 = vector.broadcast %sub3A_125 : i32 to vector<16xi32>
    %sub3A_127 = arith.subi %iota3A, %sub3A_126 : vector<16xi32>
    %ge3A_128 = arith.constant 0 : i32
    %ge3A_129 = vector.broadcast %ge3A_128 : i32 to vector<16xi32>
    %ge3A_130 = arith.cmpi sge, %sub3A_127, %ge3A_129 : vector<16xi32>
    %lt3A_131 = arith.constant 8 : i32
    %lt3A_132 = vector.broadcast %lt3A_131 : i32 to vector<16xi32>
    %lt3A_133 = arith.cmpi slt, %sub3A_127, %lt3A_132 : vector<16xi32>
    %and3A_134 = arith.andi %ge3A_130, %lt3A_133 : vector<16xi1>
    tpu.vector_store_idx %arg5[%sub3A_127, %get3A_124], %broadcast_in_dim3A_3 masked %and3A_134 : memref<8x4096xf32, #tpu.memory_space<vmem>>[vector<16xi32>, vector<16xi32>], vector<16xf32>, vector<16xi1>
    %get3A_135 = arith.constant 32 : index
    %get3A_136 = tpu.vector_load %arg4[%get3A_135] {strides = array<i32>} : memref<128xi32, #tpu.memory_space<vmem>>, vector<16xi32>,
    %sub3A_137 = arith.constant 0 : i32
    %sub3A_138 = vector.broadcast %sub3A_137 : i32 to vector<16xi32>
    %sub3A_139 = arith.subi %iota3A, %sub3A_138 : vector<16xi32>
    %ge3A_140 = arith.constant 0 : i32
    %ge3A_141 = vector.broadcast %ge3A_140 : i32 to vector<16xi32>
    %ge3A_142 = arith.cmpi sge, %sub3A_139, %ge3A_141 : vector<16xi32>
    %lt3A_143 = arith.constant 8 : i32
    %lt3A_144 = vector.broadcast %lt3A_143 : i32 to vector<16xi32>
    %lt3A_145 = arith.cmpi slt, %sub3A_139, %lt3A_144 : vector<16xi32>
    %and3A_146 = arith.andi %ge3A_142, %lt3A_145 : vector<16xi1>
    tpu.vector_store_idx %arg5[%sub3A_139, %get3A_136], %broadcast_in_dim3A_5 masked %and3A_146 : memref<8x4096xf32, #tpu.memory_space<vmem>>[vector<16xi32>, vector<16xi32>], vector<16xf32>, vector<16xi1>
    %add3A_147 = arith.constant 32 : i32
    %add3A_148 = arith.addi %mul3A_2, %add3A_147 : i32
    %dma_start3A_149 = arith.constant 0 : i32
    %dma_start3A_150 = tpu.memref_slice %arg3[%add3A_148, %dma_start3A_149] : memref<4096x4096xf32, #tpu.memory_space<hbm>> -> memref<8x4096xf32, #tpu.memory_space<hbm>>
    %dma_start3A_151 = arith.constant 0 : i32
    %dma_start3A_152 = tpu.memref_slice %arg3[%add3A_148, %dma_start3A_151] : memref<4096x4096xf32, #tpu.memory_space<hbm>> -> memref<8x4096xf32, #tpu.memory_space<hbm>>
    tpu.enqueue_dma source(%arg5 : memref<8x4096xf32, #tpu.memory_space<vmem>>) target(%dma_start3A_152 : memref<8x4096xf32, #tpu.memory_space<hbm>>) target_semaphore(%arg7 : memref<!tpu.dma_semaphore, #tpu.memory_space<semaphore_mem>>)
    %dma_wait3A_153 = arith.constant 0 : i32
    %dma_wait3A_154 = tpu.memref_slice %arg3[%add3A_114, %dma_wait3A_153] : memref<4096x4096xf32, #tpu.memory_space<hbm>> -> memref<8x4096xf32, #tpu.memory_space<hbm>>
    %dma_wait3A_155 = arith.constant 0 : i32
    %dma_wait3A_156 = tpu.memref_slice %arg3[%add3A_114, %dma_wait3A_155] : memref<4096x4096xf32, #tpu.memory_space<hbm>> -> memref<8x4096xf32, #tpu.memory_space<hbm>>
    tpu.wait_dma2 semaphore(%arg8 : memref<!tpu.dma_semaphore, #tpu.memory_space<semaphore_mem>>) src(%arg6 : memref<8x4096xf32, #tpu.memory_space<vmem>>) dst(%dma_wait3A_156 : memref<8x4096xf32, #tpu.memory_space<hbm>>)
    %get3A_157 = arith.constant 24 : index
    %get3A_158 = tpu.vector_load %arg4[%get3A_157] {strides = array<i32>} : memref<128xi32, #tpu.memory_space<vmem>>, vector<16xi32>,
    %sub3A_159 = arith.constant 0 : i32
    %sub3A_160 = vector.broadcast %sub3A_159 : i32 to vector<16xi32>
    %sub3A_161 = arith.subi %iota3A, %sub3A_160 : vector<16xi32>
    %ge3A_162 = arith.constant 0 : i32
    %ge3A_163 = vector.broadcast %ge3A_162 : i32 to vector<16xi32>
    %ge3A_164 = arith.cmpi sge, %sub3A_161, %ge3A_163 : vector<16xi32>
    %lt3A_165 = arith.constant 8 : i32
    %lt3A_166 = vector.broadcast %lt3A_165 : i32 to vector<16xi32>
    %lt3A_167 = arith.cmpi slt, %sub3A_161, %lt3A_166 : vector<16xi32>
    %and3A_168 = arith.andi %ge3A_164, %lt3A_167 : vector<16xi1>
    tpu.vector_store_idx %arg6[%sub3A_161, %get3A_158], %broadcast_in_dim3A_3 masked %and3A_168 : memref<8x4096xf32, #tpu.memory_space<vmem>>[vector<16xi32>, vector<16xi32>], vector<16xf32>, vector<16xi1>
    %get3A_169 = arith.constant 40 : index
    %get3A_170 = tpu.vector_load %arg4[%get3A_169] {strides = array<i32>} : memref<128xi32, #tpu.memory_space<vmem>>, vector<16xi32>,
    %sub3A_171 = arith.constant 0 : i32
    %sub3A_172 = vector.broadcast %sub3A_171 : i32 to vector<16xi32>
    %sub3A_173 = arith.subi %iota3A, %sub3A_172 : vector<16xi32>
    %ge3A_174 = arith.constant 0 : i32
    %ge3A_175 = vector.broadcast %ge3A_174 : i32 to vector<16xi32>
    %ge3A_176 = arith.cmpi sge, %sub3A_173, %ge3A_175 : vector<16xi32>
    %lt3A_177 = arith.constant 8 : i32
    %lt3A_178 = vector.broadcast %lt3A_177 : i32 to vector<16xi32>
    %lt3A_179 = arith.cmpi slt, %sub3A_173, %lt3A_178 : vector<16xi32>
    %and3A_180 = arith.andi %ge3A_176, %lt3A_179 : vector<16xi1>
    tpu.vector_store_idx %arg6[%sub3A_173, %get3A_170], %broadcast_in_dim3A_5 masked %and3A_180 : memref<8x4096xf32, #tpu.memory_space<vmem>>[vector<16xi32>, vector<16xi32>], vector<16xf32>, vector<16xi1>
    %add3A_181 = arith.constant 40 : i32
    %add3A_182 = arith.addi %mul3A_2, %add3A_181 : i32
    %dma_start3A_183 = arith.constant 0 : i32
    %dma_start3A_184 = tpu.memref_slice %arg3[%add3A_182, %dma_start3A_183] : memref<4096x4096xf32, #tpu.memory_space<hbm>> -> memref<8x4096xf32, #tpu.memory_space<hbm>>
    %dma_start3A_185 = arith.constant 0 : i32
    %dma_start3A_186 = tpu.memref_slice %arg3[%add3A_182, %dma_start3A_185] : memref<4096x4096xf32, #tpu.memory_space<hbm>> -> memref<8x4096xf32, #tpu.memory_space<hbm>>
    tpu.enqueue_dma source(%arg6 : memref<8x4096xf32, #tpu.memory_space<vmem>>) target(%dma_start3A_186 : memref<8x4096xf32, #tpu.memory_space<hbm>>) target_semaphore(%arg8 : memref<!tpu.dma_semaphore, #tpu.memory_space<semaphore_mem>>)
    %dma_wait3A_187 = arith.constant 0 : i32
    %dma_wait3A_188 = tpu.memref_slice %arg3[%add3A_148, %dma_wait3A_187] : memref<4096x4096xf32, #tpu.memory_space<hbm>> -> memref<8x4096xf32, #tpu.memory_space<hbm>>
    %dma_wait3A_189 = arith.constant 0 : i32
    %dma_wait3A_190 = tpu.memref_slice %arg3[%add3A_148, %dma_wait3A_189] : memref<4096x4096xf32, #tpu.memory_space<hbm>> -> memref<8x4096xf32, #tpu.memory_space<hbm>>
    tpu.wait_dma2 semaphore(%arg7 : memref<!tpu.dma_semaphore, #tpu.memory_space<semaphore_mem>>) src(%arg5 : memref<8x4096xf32, #tpu.memory_space<vmem>>) dst(%dma_wait3A_190 : memref<8x4096xf32, #tpu.memory_space<hbm>>)
    %get3A_191 = arith.constant 32 : index
    %get3A_192 = tpu.vector_load %arg4[%get3A_191] {strides = array<i32>} : memref<128xi32, #tpu.memory_space<vmem>>, vector<16xi32>,
    %sub3A_193 = arith.constant 0 : i32
    %sub3A_194 = vector.broadcast %sub3A_193 : i32 to vector<16xi32>
    %sub3A_195 = arith.subi %iota3A, %sub3A_194 : vector<16xi32>
    %ge3A_196 = arith.constant 0 : i32
    %ge3A_197 = vector.broadcast %ge3A_196 : i32 to vector<16xi32>
    %ge3A_198 = arith.cmpi sge, %sub3A_195, %ge3A_197 : vector<16xi32>
    %lt3A_199 = arith.constant 8 : i32
    %lt3A_200 = vector.broadcast %lt3A_199 : i32 to vector<16xi32>
    %lt3A_201 = arith.cmpi slt, %sub3A_195, %lt3A_200 : vector<16xi32>
    %and3A_202 = arith.andi %ge3A_198, %lt3A_201 : vector<16xi1>
    tpu.vector_store_idx %arg5[%sub3A_195, %get3A_192], %broadcast_in_dim3A_3 masked %and3A_202 : memref<8x4096xf32, #tpu.memory_space<vmem>>[vector<16xi32>, vector<16xi32>], vector<16xf32>, vector<16xi1>
    %get3A_203 = arith.constant 48 : index
    %get3A_204 = tpu.vector_load %arg4[%get3A_203] {strides = array<i32>} : memref<128xi32, #tpu.memory_space<vmem>>, vector<16xi32>,
    %sub3A_205 = arith.constant 0 : i32
    %sub3A_206 = vector.broadcast %sub3A_205 : i32 to vector<16xi32>
    %sub3A_207 = arith.subi %iota3A, %sub3A_206 : vector<16xi32>
    %ge3A_208 = arith.constant 0 : i32
    %ge3A_209 = vector.broadcast %ge3A_208 : i32 to vector<16xi32>
    %ge3A_210 = arith.cmpi sge, %sub3A_207, %ge3A_209 : vector<16xi32>
    %lt3A_211 = arith.constant 8 : i32
    %lt3A_212 = vector.broadcast %lt3A_211 : i32 to vector<16xi32>
    %lt3A_213 = arith.cmpi slt, %sub3A_207, %lt3A_212 : vector<16xi32>
    %and3A_214 = arith.andi %ge3A_210, %lt3A_213 : vector<16xi1>
    tpu.vector_store_idx %arg5[%sub3A_207, %get3A_204], %broadcast_in_dim3A_5 masked %and3A_214 : memref<8x4096xf32, #tpu.memory_space<vmem>>[vector<16xi32>, vector<16xi32>], vector<16xf32>, vector<16xi1>
    %add3A_215 = arith.constant 48 : i32
    %add3A_216 = arith.addi %mul3A_2, %add3A_215 : i32
    %dma_start3A_217 = arith.constant 0 : i32
    %dma_start3A_218 = tpu.memref_slice %arg3[%add3A_216, %dma_start3A_217] : memref<4096x4096xf32, #tpu.memory_space<hbm>> -> memref<8x4096xf32, #tpu.memory_space<hbm>>
    %dma_start3A_219 = arith.constant 0 : i32
    %dma_start3A_220 = tpu.memref_slice %arg3[%add3A_216, %dma_start3A_219] : memref<4096x4096xf32, #tpu.memory_space<hbm>> -> memref<8x4096xf32, #tpu.memory_space<hbm>>
    tpu.enqueue_dma source(%arg5 : memref<8x4096xf32, #tpu.memory_space<vmem>>) target(%dma_start3A_220 : memref<8x4096xf32, #tpu.memory_space<hbm>>) target_semaphore(%arg7 : memref<!tpu.dma_semaphore, #tpu.memory_space<semaphore_mem>>)
    %dma_wait3A_221 = arith.constant 0 : i32
    %dma_wait3A_222 = tpu.memref_slice %arg3[%add3A_182, %dma_wait3A_221] : memref<4096x4096xf32, #tpu.memory_space<hbm>> -> memref<8x4096xf32, #tpu.memory_space<hbm>>
    %dma_wait3A_223 = arith.constant 0 : i32
    %dma_wait3A_224 = tpu.memref_slice %arg3[%add3A_182, %dma_wait3A_223] : memref<4096x4096xf32, #tpu.memory_space<hbm>> -> memref<8x4096xf32, #tpu.memory_space<hbm>>
    tpu.wait_dma2 semaphore(%arg8 : memref<!tpu.dma_semaphore, #tpu.memory_space<semaphore_mem>>) src(%arg6 : memref<8x4096xf32, #tpu.memory_space<vmem>>) dst(%dma_wait3A_224 : memref<8x4096xf32, #tpu.memory_space<hbm>>)
    %get3A_225 = arith.constant 40 : index
    %get3A_226 = tpu.vector_load %arg4[%get3A_225] {strides = array<i32>} : memref<128xi32, #tpu.memory_space<vmem>>, vector<16xi32>,
    %sub3A_227 = arith.constant 0 : i32
    %sub3A_228 = vector.broadcast %sub3A_227 : i32 to vector<16xi32>
    %sub3A_229 = arith.subi %iota3A, %sub3A_228 : vector<16xi32>
    %ge3A_230 = arith.constant 0 : i32
    %ge3A_231 = vector.broadcast %ge3A_230 : i32 to vector<16xi32>
    %ge3A_232 = arith.cmpi sge, %sub3A_229, %ge3A_231 : vector<16xi32>
    %lt3A_233 = arith.constant 8 : i32
    %lt3A_234 = vector.broadcast %lt3A_233 : i32 to vector<16xi32>
    %lt3A_235 = arith.cmpi slt, %sub3A_229, %lt3A_234 : vector<16xi32>
    %and3A_236 = arith.andi %ge3A_232, %lt3A_235 : vector<16xi1>
    tpu.vector_store_idx %arg6[%sub3A_229, %get3A_226], %broadcast_in_dim3A_3 masked %and3A_236 : memref<8x4096xf32, #tpu.memory_space<vmem>>[vector<16xi32>, vector<16xi32>], vector<16xf32>, vector<16xi1>
    %get3A_237 = arith.constant 56 : index
    %get3A_238 = tpu.vector_load %arg4[%get3A_237] {strides = array<i32>} : memref<128xi32, #tpu.memory_space<vmem>>, vector<16xi32>,
    %sub3A_239 = arith.constant 0 : i32
    %sub3A_240 = vector.broadcast %sub3A_239 : i32 to vector<16xi32>
    %sub3A_241 = arith.subi %iota3A, %sub3A_240 : vector<16xi32>
    %ge3A_242 = arith.constant 0 : i32
    %ge3A_243 = vector.broadcast %ge3A_242 : i32 to vector<16xi32>
    %ge3A_244 = arith.cmpi sge, %sub3A_241, %ge3A_243 : vector<16xi32>
    %lt3A_245 = arith.constant 8 : i32
    %lt3A_246 = vector.broadcast %lt3A_245 : i32 to vector<16xi32>
    %lt3A_247 = arith.cmpi slt, %sub3A_241, %lt3A_246 : vector<16xi32>
    %and3A_248 = arith.andi %ge3A_244, %lt3A_247 : vector<16xi1>
    tpu.vector_store_idx %arg6[%sub3A_241, %get3A_238], %broadcast_in_dim3A_5 masked %and3A_248 : memref<8x4096xf32, #tpu.memory_space<vmem>>[vector<16xi32>, vector<16xi32>], vector<16xf32>, vector<16xi1>
    %add3A_249 = arith.constant 56 : i32
    %add3A_250 = arith.addi %mul3A_2, %add3A_249 : i32
    %dma_start3A_251 = arith.constant 0 : i32
    %dma_start3A_252 = tpu.memref_slice %arg3[%add3A_250, %dma_start3A_251] : memref<4096x4096xf32, #tpu.memory_space<hbm>> -> memref<8x4096xf32, #tpu.memory_space<hbm>>
    %dma_start3A_253 = arith.constant 0 : i32
    %dma_start3A_254 = tpu.memref_slice %arg3[%add3A_250, %dma_start3A_253] : memref<4096x4096xf32, #tpu.memory_space<hbm>> -> memref<8x4096xf32, #tpu.memory_space<hbm>>
    tpu.enqueue_dma source(%arg6 : memref<8x4096xf32, #tpu.memory_space<vmem>>) target(%dma_start3A_254 : memref<8x4096xf32, #tpu.memory_space<hbm>>) target_semaphore(%arg8 : memref<!tpu.dma_semaphore, #tpu.memory_space<semaphore_mem>>)
    %dma_wait3A_255 = arith.constant 0 : i32
    %dma_wait3A_256 = tpu.memref_slice %arg3[%add3A_216, %dma_wait3A_255] : memref<4096x4096xf32, #tpu.memory_space<hbm>> -> memref<8x4096xf32, #tpu.memory_space<hbm>>
    %dma_wait3A_257 = arith.constant 0 : i32
    %dma_wait3A_258 = tpu.memref_slice %arg3[%add3A_216, %dma_wait3A_257] : memref<4096x4096xf32, #tpu.memory_space<hbm>> -> memref<8x4096xf32, #tpu.memory_space<hbm>>
    tpu.wait_dma2 semaphore(%arg7 : memref<!tpu.dma_semaphore, #tpu.memory_space<semaphore_mem>>) src(%arg5 : memref<8x4096xf32, #tpu.memory_space<vmem>>) dst(%dma_wait3A_258 : memref<8x4096xf32, #tpu.memory_space<hbm>>)
    %get3A_259 = arith.constant 48 : index
    %get3A_260 = tpu.vector_load %arg4[%get3A_259] {strides = array<i32>} : memref<128xi32, #tpu.memory_space<vmem>>, vector<16xi32>,
    %sub3A_261 = arith.constant 0 : i32
    %sub3A_262 = vector.broadcast %sub3A_261 : i32 to vector<16xi32>
    %sub3A_263 = arith.subi %iota3A, %sub3A_262 : vector<16xi32>
    %ge3A_264 = arith.constant 0 : i32
    %ge3A_265 = vector.broadcast %ge3A_264 : i32 to vector<16xi32>
    %ge3A_266 = arith.cmpi sge, %sub3A_263, %ge3A_265 : vector<16xi32>
    %lt3A_267 = arith.constant 8 : i32
    %lt3A_268 = vector.broadcast %lt3A_267 : i32 to vector<16xi32>
    %lt3A_269 = arith.cmpi slt, %sub3A_263, %lt3A_268 : vector<16xi32>
    %and3A_270 = arith.andi %ge3A_266, %lt3A_269 : vector<16xi1>
    tpu.vector_store_idx %arg5[%sub3A_263, %get3A_260], %broadcast_in_dim3A_3 masked %and3A_270 : memref<8x4096xf32, #tpu.memory_space<vmem>>[vector<16xi32>, vector<16xi32>], vector<16xf32>, vector<16xi1>
    %get3A_271 = arith.constant 64 : index
    %get3A_272 = tpu.vector_load %arg4[%get3A_271] {strides = array<i32>} : memref<128xi32, #tpu.memory_space<vmem>>, vector<16xi32>,
    %sub3A_273 = arith.constant 0 : i32
    %sub3A_274 = vector.broadcast %sub3A_273 : i32 to vector<16xi32>
    %sub3A_275 = arith.subi %iota3A, %sub3A_274 : vector<16xi32>
    %ge3A_276 = arith.constant 0 : i32
    %ge3A_277 = vector.broadcast %ge3A_276 : i32 to vector<16xi32>
    %ge3A_278 = arith.cmpi sge, %sub3A_275, %ge3A_277 : vector<16xi32>
    %lt3A_279 = arith.constant 8 : i32
    %lt3A_280 = vector.broadcast %lt3A_279 : i32 to vector<16xi32>
    %lt3A_281 = arith.cmpi slt, %sub3A_275, %lt3A_280 : vector<16xi32>
    %and3A_282 = arith.andi %ge3A_278, %lt3A_281 : vector<16xi1>
    tpu.vector_store_idx %arg5[%sub3A_275, %get3A_272], %broadcast_in_dim3A_5 masked %and3A_282 : memref<8x4096xf32, #tpu.memory_space<vmem>>[vector<16xi32>, vector<16xi32>], vector<16xf32>, vector<16xi1>
    %add3A_283 = arith.constant 64 : i32
    %add3A_284 = arith.addi %mul3A_2, %add3A_283 : i32
    %dma_start3A_285 = arith.constant 0 : i32
    %dma_start3A_286 = tpu.memref_slice %arg3[%add3A_284, %dma_start3A_285] : memref<4096x4096xf32, #tpu.memory_space<hbm>> -> memref<8x4096xf32, #tpu.memory_space<hbm>>
    %dma_start3A_287 = arith.constant 0 : i32
    %dma_start3A_288 = tpu.memref_slice %arg3[%add3A_284, %dma_start3A_287] : memref<4096x4096xf32, #tpu.memory_space<hbm>> -> memref<8x4096xf32, #tpu.memory_space<hbm>>
    tpu.enqueue_dma source(%arg5 : memref<8x4096xf32, #tpu.memory_space<vmem>>) target(%dma_start3A_288 : memref<8x4096xf32, #tpu.memory_space<hbm>>) target_semaphore(%arg7 : memref<!tpu.dma_semaphore, #tpu.memory_space<semaphore_mem>>)
    %dma_wait3A_289 = arith.constant 0 : i32
    %dma_wait3A_290 = tpu.memref_slice %arg3[%add3A_250, %dma_wait3A_289] : memref<4096x4096xf32, #tpu.memory_space<hbm>> -> memref<8x4096xf32, #tpu.memory_space<hbm>>
    %dma_wait3A_291 = arith.constant 0 : i32
    %dma_wait3A_292 = tpu.memref_slice %arg3[%add3A_250, %dma_wait3A_291] : memref<4096x4096xf32, #tpu.memory_space<hbm>> -> memref<8x4096xf32, #tpu.memory_space<hbm>>
    tpu.wait_dma2 semaphore(%arg8 : memref<!tpu.dma_semaphore, #tpu.memory_space<semaphore_mem>>) src(%arg6 : memref<8x4096xf32, #tpu.memory_space<vmem>>) dst(%dma_wait3A_292 : memref<8x4096xf32, #tpu.memory_space<hbm>>)
    %get3A_293 = arith.constant 56 : index
    %get3A_294 = tpu.vector_load %arg4[%get3A_293] {strides = array<i32>} : memref<128xi32, #tpu.memory_space<vmem>>, vector<16xi32>,
    %sub3A_295 = arith.constant 0 : i32
    %sub3A_296 = vector.broadcast %sub3A_295 : i32 to vector<16xi32>
    %sub3A_297 = arith.subi %iota3A, %sub3A_296 : vector<16xi32>
    %ge3A_298 = arith.constant 0 : i32
    %ge3A_299 = vector.broadcast %ge3A_298 : i32 to vector<16xi32>
    %ge3A_300 = arith.cmpi sge, %sub3A_297, %ge3A_299 : vector<16xi32>
    %lt3A_301 = arith.constant 8 : i32
    %lt3A_302 = vector.broadcast %lt3A_301 : i32 to vector<16xi32>
    %lt3A_303 = arith.cmpi slt, %sub3A_297, %lt3A_302 : vector<16xi32>
    %and3A_304 = arith.andi %ge3A_300, %lt3A_303 : vector<16xi1>
    tpu.vector_store_idx %arg6[%sub3A_297, %get3A_294], %broadcast_in_dim3A_3 masked %and3A_304 : memref<8x4096xf32, #tpu.memory_space<vmem>>[vector<16xi32>, vector<16xi32>], vector<16xf32>, vector<16xi1>
    %get3A_305 = arith.constant 72 : index
    %get3A_306 = tpu.vector_load %arg4[%get3A_305] {strides = array<i32>} : memref<128xi32, #tpu.memory_space<vmem>>, vector<16xi32>,
    %sub3A_307 = arith.constant 0 : i32
    %sub3A_308 = vector.broadcast %sub3A_307 : i32 to vector<16xi32>
    %sub3A_309 = arith.subi %iota3A, %sub3A_308 : vector<16xi32>
    %ge3A_310 = arith.constant 0 : i32
    %ge3A_311 = vector.broadcast %ge3A_310 : i32 to vector<16xi32>
    %ge3A_312 = arith.cmpi sge, %sub3A_309, %ge3A_311 : vector<16xi32>
    %lt3A_313 = arith.constant 8 : i32
    %lt3A_314 = vector.broadcast %lt3A_313 : i32 to vector<16xi32>
    %lt3A_315 = arith.cmpi slt, %sub3A_309, %lt3A_314 : vector<16xi32>
    %and3A_316 = arith.andi %ge3A_312, %lt3A_315 : vector<16xi1>
    tpu.vector_store_idx %arg6[%sub3A_309, %get3A_306], %broadcast_in_dim3A_5 masked %and3A_316 : memref<8x4096xf32, #tpu.memory_space<vmem>>[vector<16xi32>, vector<16xi32>], vector<16xf32>, vector<16xi1>
    %add3A_317 = arith.constant 72 : i32
    %add3A_318 = arith.addi %mul3A_2, %add3A_317 : i32
    %dma_start3A_319 = arith.constant 0 : i32
    %dma_start3A_320 = tpu.memref_slice %arg3[%add3A_318, %dma_start3A_319] : memref<4096x4096xf32, #tpu.memory_space<hbm>> -> memref<8x4096xf32, #tpu.memory_space<hbm>>
    %dma_start3A_321 = arith.constant 0 : i32
    %dma_start3A_322 = tpu.memref_slice %arg3[%add3A_318, %dma_start3A_321] : memref<4096x4096xf32, #tpu.memory_space<hbm>> -> memref<8x4096xf32, #tpu.memory_space<hbm>>
    tpu.enqueue_dma source(%arg6 : memref<8x4096xf32, #tpu.memory_space<vmem>>) target(%dma_start3A_322 : memref<8x4096xf32, #tpu.memory_space<hbm>>) target_semaphore(%arg8 : memref<!tpu.dma_semaphore, #tpu.memory_space<semaphore_mem>>)
    %dma_wait3A_323 = arith.constant 0 : i32
    %dma_wait3A_324 = tpu.memref_slice %arg3[%add3A_284, %dma_wait3A_323] : memref<4096x4096xf32, #tpu.memory_space<hbm>> -> memref<8x4096xf32, #tpu.memory_space<hbm>>
    %dma_wait3A_325 = arith.constant 0 : i32
    %dma_wait3A_326 = tpu.memref_slice %arg3[%add3A_284, %dma_wait3A_325] : memref<4096x4096xf32, #tpu.memory_space<hbm>> -> memref<8x4096xf32, #tpu.memory_space<hbm>>
    tpu.wait_dma2 semaphore(%arg7 : memref<!tpu.dma_semaphore, #tpu.memory_space<semaphore_mem>>) src(%arg5 : memref<8x4096xf32, #tpu.memory_space<vmem>>) dst(%dma_wait3A_326 : memref<8x4096xf32, #tpu.memory_space<hbm>>)
    %get3A_327 = arith.constant 64 : index
    %get3A_328 = tpu.vector_load %arg4[%get3A_327] {strides = array<i32>} : memref<128xi32, #tpu.memory_space<vmem>>, vector<16xi32>,
    %sub3A_329 = arith.constant 0 : i32
    %sub3A_330 = vector.broadcast %sub3A_329 : i32 to vector<16xi32>
    %sub3A_331 = arith.subi %iota3A, %sub3A_330 : vector<16xi32>
    %ge3A_332 = arith.constant 0 : i32
    %ge3A_333 = vector.broadcast %ge3A_332 : i32 to vector<16xi32>
    %ge3A_334 = arith.cmpi sge, %sub3A_331, %ge3A_333 : vector<16xi32>
    %lt3A_335 = arith.constant 8 : i32
    %lt3A_336 = vector.broadcast %lt3A_335 : i32 to vector<16xi32>
    %lt3A_337 = arith.cmpi slt, %sub3A_331, %lt3A_336 : vector<16xi32>
    %and3A_338 = arith.andi %ge3A_334, %lt3A_337 : vector<16xi1>
    tpu.vector_store_idx %arg5[%sub3A_331, %get3A_328], %broadcast_in_dim3A_3 masked %and3A_338 : memref<8x4096xf32, #tpu.memory_space<vmem>>[vector<16xi32>, vector<16xi32>], vector<16xf32>, vector<16xi1>
    %get3A_339 = arith.constant 80 : index
    %get3A_340 = tpu.vector_load %arg4[%get3A_339] {strides = array<i32>} : memref<128xi32, #tpu.memory_space<vmem>>, vector<16xi32>,
    %sub3A_341 = arith.constant 0 : i32
    %sub3A_342 = vector.broadcast %sub3A_341 : i32 to vector<16xi32>
    %sub3A_343 = arith.subi %iota3A, %sub3A_342 : vector<16xi32>
    %ge3A_344 = arith.constant 0 : i32
    %ge3A_345 = vector.broadcast %ge3A_344 : i32 to vector<16xi32>
    %ge3A_346 = arith.cmpi sge, %sub3A_343, %ge3A_345 : vector<16xi32>
    %lt3A_347 = arith.constant 8 : i32
    %lt3A_348 = vector.broadcast %lt3A_347 : i32 to vector<16xi32>
    %lt3A_349 = arith.cmpi slt, %sub3A_343, %lt3A_348 : vector<16xi32>
    %and3A_350 = arith.andi %ge3A_346, %lt3A_349 : vector<16xi1>
    tpu.vector_store_idx %arg5[%sub3A_343, %get3A_340], %broadcast_in_dim3A_5 masked %and3A_350 : memref<8x4096xf32, #tpu.memory_space<vmem>>[vector<16xi32>, vector<16xi32>], vector<16xf32>, vector<16xi1>
    %add3A_351 = arith.constant 80 : i32
    %add3A_352 = arith.addi %mul3A_2, %add3A_351 : i32
    %dma_start3A_353 = arith.constant 0 : i32
    %dma_start3A_354 = tpu.memref_slice %arg3[%add3A_352, %dma_start3A_353] : memref<4096x4096xf32, #tpu.memory_space<hbm>> -> memref<8x4096xf32, #tpu.memory_space<hbm>>
    %dma_start3A_355 = arith.constant 0 : i32
    %dma_start3A_356 = tpu.memref_slice %arg3[%add3A_352, %dma_start3A_355] : memref<4096x4096xf32, #tpu.memory_space<hbm>> -> memref<8x4096xf32, #tpu.memory_space<hbm>>
    tpu.enqueue_dma source(%arg5 : memref<8x4096xf32, #tpu.memory_space<vmem>>) target(%dma_start3A_356 : memref<8x4096xf32, #tpu.memory_space<hbm>>) target_semaphore(%arg7 : memref<!tpu.dma_semaphore, #tpu.memory_space<semaphore_mem>>)
    %dma_wait3A_357 = arith.constant 0 : i32
    %dma_wait3A_358 = tpu.memref_slice %arg3[%add3A_318, %dma_wait3A_357] : memref<4096x4096xf32, #tpu.memory_space<hbm>> -> memref<8x4096xf32, #tpu.memory_space<hbm>>
    %dma_wait3A_359 = arith.constant 0 : i32
    %dma_wait3A_360 = tpu.memref_slice %arg3[%add3A_318, %dma_wait3A_359] : memref<4096x4096xf32, #tpu.memory_space<hbm>> -> memref<8x4096xf32, #tpu.memory_space<hbm>>
    tpu.wait_dma2 semaphore(%arg8 : memref<!tpu.dma_semaphore, #tpu.memory_space<semaphore_mem>>) src(%arg6 : memref<8x4096xf32, #tpu.memory_space<vmem>>) dst(%dma_wait3A_360 : memref<8x4096xf32, #tpu.memory_space<hbm>>)
    %get3A_361 = arith.constant 72 : index
    %get3A_362 = tpu.vector_load %arg4[%get3A_361] {strides = array<i32>} : memref<128xi32, #tpu.memory_space<vmem>>, vector<16xi32>,
    %sub3A_363 = arith.constant 0 : i32
    %sub3A_364 = vector.broadcast %sub3A_363 : i32 to vector<16xi32>
    %sub3A_365 = arith.subi %iota3A, %sub3A_364 : vector<16xi32>
    %ge3A_366 = arith.constant 0 : i32
    %ge3A_367 = vector.broadcast %ge3A_366 : i32 to vector<16xi32>
    %ge3A_368 = arith.cmpi sge, %sub3A_365, %ge3A_367 : vector<16xi32>
    %lt3A_369 = arith.constant 8 : i32
    %lt3A_370 = vector.broadcast %lt3A_369 : i32 to vector<16xi32>
    %lt3A_371 = arith.cmpi slt, %sub3A_365, %lt3A_370 : vector<16xi32>
    %and3A_372 = arith.andi %ge3A_368, %lt3A_371 : vector<16xi1>
    tpu.vector_store_idx %arg6[%sub3A_365, %get3A_362], %broadcast_in_dim3A_3 masked %and3A_372 : memref<8x4096xf32, #tpu.memory_space<vmem>>[vector<16xi32>, vector<16xi32>], vector<16xf32>, vector<16xi1>
    %get3A_373 = arith.constant 88 : index
    %get3A_374 = tpu.vector_load %arg4[%get3A_373] {strides = array<i32>} : memref<128xi32, #tpu.memory_space<vmem>>, vector<16xi32>,
    %sub3A_375 = arith.constant 0 : i32
    %sub3A_376 = vector.broadcast %sub3A_375 : i32 to vector<16xi32>
    %sub3A_377 = arith.subi %iota3A, %sub3A_376 : vector<16xi32>
    %ge3A_378 = arith.constant 0 : i32
    %ge3A_379 = vector.broadcast %ge3A_378 : i32 to vector<16xi32>
    %ge3A_380 = arith.cmpi sge, %sub3A_377, %ge3A_379 : vector<16xi32>
    %lt3A_381 = arith.constant 8 : i32
    %lt3A_382 = vector.broadcast %lt3A_381 : i32 to vector<16xi32>
    %lt3A_383 = arith.cmpi slt, %sub3A_377, %lt3A_382 : vector<16xi32>
    %and3A_384 = arith.andi %ge3A_380, %lt3A_383 : vector<16xi1>
    tpu.vector_store_idx %arg6[%sub3A_377, %get3A_374], %broadcast_in_dim3A_5 masked %and3A_384 : memref<8x4096xf32, #tpu.memory_space<vmem>>[vector<16xi32>, vector<16xi32>], vector<16xf32>, vector<16xi1>
    %add3A_385 = arith.constant 88 : i32
    %add3A_386 = arith.addi %mul3A_2, %add3A_385 : i32
    %dma_start3A_387 = arith.constant 0 : i32
    %dma_start3A_388 = tpu.memref_slice %arg3[%add3A_386, %dma_start3A_387] : memref<4096x4096xf32, #tpu.memory_space<hbm>> -> memref<8x4096xf32, #tpu.memory_space<hbm>>
    %dma_start3A_389 = arith.constant 0 : i32
    %dma_start3A_390 = tpu.memref_slice %arg3[%add3A_386, %dma_start3A_389] : memref<4096x4096xf32, #tpu.memory_space<hbm>> -> memref<8x4096xf32, #tpu.memory_space<hbm>>
    tpu.enqueue_dma source(%arg6 : memref<8x4096xf32, #tpu.memory_space<vmem>>) target(%dma_start3A_390 : memref<8x4096xf32, #tpu.memory_space<hbm>>) target_semaphore(%arg8 : memref<!tpu.dma_semaphore, #tpu.memory_space<semaphore_mem>>)
    %dma_wait3A_391 = arith.constant 0 : i32
    %dma_wait3A_392 = tpu.memref_slice %arg3[%add3A_352, %dma_wait3A_391] : memref<4096x4096xf32, #tpu.memory_space<hbm>> -> memref<8x4096xf32, #tpu.memory_space<hbm>>
    %dma_wait3A_393 = arith.constant 0 : i32
    %dma_wait3A_394 = tpu.memref_slice %arg3[%add3A_352, %dma_wait3A_393] : memref<4096x4096xf32, #tpu.memory_space<hbm>> -> memref<8x4096xf32, #tpu.memory_space<hbm>>
    tpu.wait_dma2 semaphore(%arg7 : memref<!tpu.dma_semaphore, #tpu.memory_space<semaphore_mem>>) src(%arg5 : memref<8x4096xf32, #tpu.memory_space<vmem>>) dst(%dma_wait3A_394 : memref<8x4096xf32, #tpu.memory_space<hbm>>)
    %get3A_395 = arith.constant 80 : index
    %get3A_396 = tpu.vector_load %arg4[%get3A_395] {strides = array<i32>} : memref<128xi32, #tpu.memory_space<vmem>>, vector<16xi32>,
    %sub3A_397 = arith.constant 0 : i32
    %sub3A_398 = vector.broadcast %sub3A_397 : i32 to vector<16xi32>
    %sub3A_399 = arith.subi %iota3A, %sub3A_398 : vector<16xi32>
    %ge3A_400 = arith.constant 0 : i32
    %ge3A_401 = vector.broadcast %ge3A_400 : i32 to vector<16xi32>
    %ge3A_402 = arith.cmpi sge, %sub3A_399, %ge3A_401 : vector<16xi32>
    %lt3A_403 = arith.constant 8 : i32
    %lt3A_404 = vector.broadcast %lt3A_403 : i32 to vector<16xi32>
    %lt3A_405 = arith.cmpi slt, %sub3A_399, %lt3A_404 : vector<16xi32>
    %and3A_406 = arith.andi %ge3A_402, %lt3A_405 : vector<16xi1>
    tpu.vector_store_idx %arg5[%sub3A_399, %get3A_396], %broadcast_in_dim3A_3 masked %and3A_406 : memref<8x4096xf32, #tpu.memory_space<vmem>>[vector<16xi32>, vector<16xi32>], vector<16xf32>, vector<16xi1>
    %get3A_407 = arith.constant 96 : index
    %get3A_408 = tpu.vector_load %arg4[%get3A_407] {strides = array<i32>} : memref<128xi32, #tpu.memory_space<vmem>>, vector<16xi32>,
    %sub3A_409 = arith.constant 0 : i32
    %sub3A_410 = vector.broadcast %sub3A_409 : i32 to vector<16xi32>
    %sub3A_411 = arith.subi %iota3A, %sub3A_410 : vector<16xi32>
    %ge3A_412 = arith.constant 0 : i32
    %ge3A_413 = vector.broadcast %ge3A_412 : i32 to vector<16xi32>
    %ge3A_414 = arith.cmpi sge, %sub3A_411, %ge3A_413 : vector<16xi32>
    %lt3A_415 = arith.constant 8 : i32
    %lt3A_416 = vector.broadcast %lt3A_415 : i32 to vector<16xi32>
    %lt3A_417 = arith.cmpi slt, %sub3A_411, %lt3A_416 : vector<16xi32>
    %and3A_418 = arith.andi %ge3A_414, %lt3A_417 : vector<16xi1>
    tpu.vector_store_idx %arg5[%sub3A_411, %get3A_408], %broadcast_in_dim3A_5 masked %and3A_418 : memref<8x4096xf32, #tpu.memory_space<vmem>>[vector<16xi32>, vector<16xi32>], vector<16xf32>, vector<16xi1>
    %add3A_419 = arith.constant 96 : i32
    %add3A_420 = arith.addi %mul3A_2, %add3A_419 : i32
    %dma_start3A_421 = arith.constant 0 : i32
    %dma_start3A_422 = tpu.memref_slice %arg3[%add3A_420, %dma_start3A_421] : memref<4096x4096xf32, #tpu.memory_space<hbm>> -> memref<8x4096xf32, #tpu.memory_space<hbm>>
    %dma_start3A_423 = arith.constant 0 : i32
    %dma_start3A_424 = tpu.memref_slice %arg3[%add3A_420, %dma_start3A_423] : memref<4096x4096xf32, #tpu.memory_space<hbm>> -> memref<8x4096xf32, #tpu.memory_space<hbm>>
    tpu.enqueue_dma source(%arg5 : memref<8x4096xf32, #tpu.memory_space<vmem>>) target(%dma_start3A_424 : memref<8x4096xf32, #tpu.memory_space<hbm>>) target_semaphore(%arg7 : memref<!tpu.dma_semaphore, #tpu.memory_space<semaphore_mem>>)
    %dma_wait3A_425 = arith.constant 0 : i32
    %dma_wait3A_426 = tpu.memref_slice %arg3[%add3A_386, %dma_wait3A_425] : memref<4096x4096xf32, #tpu.memory_space<hbm>> -> memref<8x4096xf32, #tpu.memory_space<hbm>>
    %dma_wait3A_427 = arith.constant 0 : i32
    %dma_wait3A_428 = tpu.memref_slice %arg3[%add3A_386, %dma_wait3A_427] : memref<4096x4096xf32, #tpu.memory_space<hbm>> -> memref<8x4096xf32, #tpu.memory_space<hbm>>
    tpu.wait_dma2 semaphore(%arg8 : memref<!tpu.dma_semaphore, #tpu.memory_space<semaphore_mem>>) src(%arg6 : memref<8x4096xf32, #tpu.memory_space<vmem>>) dst(%dma_wait3A_428 : memref<8x4096xf32, #tpu.memory_space<hbm>>)
    %get3A_429 = arith.constant 88 : index
    %get3A_430 = tpu.vector_load %arg4[%get3A_429] {strides = array<i32>} : memref<128xi32, #tpu.memory_space<vmem>>, vector<16xi32>,
    %sub3A_431 = arith.constant 0 : i32
    %sub3A_432 = vector.broadcast %sub3A_431 : i32 to vector<16xi32>
    %sub3A_433 = arith.subi %iota3A, %sub3A_432 : vector<16xi32>
    %ge3A_434 = arith.constant 0 : i32
    %ge3A_435 = vector.broadcast %ge3A_434 : i32 to vector<16xi32>
    %ge3A_436 = arith.cmpi sge, %sub3A_433, %ge3A_435 : vector<16xi32>
    %lt3A_437 = arith.constant 8 : i32
    %lt3A_438 = vector.broadcast %lt3A_437 : i32 to vector<16xi32>
    %lt3A_439 = arith.cmpi slt, %sub3A_433, %lt3A_438 : vector<16xi32>
    %and3A_440 = arith.andi %ge3A_436, %lt3A_439 : vector<16xi1>
    tpu.vector_store_idx %arg6[%sub3A_433, %get3A_430], %broadcast_in_dim3A_3 masked %and3A_440 : memref<8x4096xf32, #tpu.memory_space<vmem>>[vector<16xi32>, vector<16xi32>], vector<16xf32>, vector<16xi1>
    %get3A_441 = arith.constant 104 : index
    %get3A_442 = tpu.vector_load %arg4[%get3A_441] {strides = array<i32>} : memref<128xi32, #tpu.memory_space<vmem>>, vector<16xi32>,
    %sub3A_443 = arith.constant 0 : i32
    %sub3A_444 = vector.broadcast %sub3A_443 : i32 to vector<16xi32>
    %sub3A_445 = arith.subi %iota3A, %sub3A_444 : vector<16xi32>
    %ge3A_446 = arith.constant 0 : i32
    %ge3A_447 = vector.broadcast %ge3A_446 : i32 to vector<16xi32>
    %ge3A_448 = arith.cmpi sge, %sub3A_445, %ge3A_447 : vector<16xi32>
    %lt3A_449 = arith.constant 8 : i32
    %lt3A_450 = vector.broadcast %lt3A_449 : i32 to vector<16xi32>
    %lt3A_451 = arith.cmpi slt, %sub3A_445, %lt3A_450 : vector<16xi32>
    %and3A_452 = arith.andi %ge3A_448, %lt3A_451 : vector<16xi1>
    tpu.vector_store_idx %arg6[%sub3A_445, %get3A_442], %broadcast_in_dim3A_5 masked %and3A_452 : memref<8x4096xf32, #tpu.memory_space<vmem>>[vector<16xi32>, vector<16xi32>], vector<16xf32>, vector<16xi1>
    %add3A_453 = arith.constant 104 : i32
    %add3A_454 = arith.addi %mul3A_2, %add3A_453 : i32
    %dma_start3A_455 = arith.constant 0 : i32
    %dma_start3A_456 = tpu.memref_slice %arg3[%add3A_454, %dma_start3A_455] : memref<4096x4096xf32, #tpu.memory_space<hbm>> -> memref<8x4096xf32, #tpu.memory_space<hbm>>
    %dma_start3A_457 = arith.constant 0 : i32
    %dma_start3A_458 = tpu.memref_slice %arg3[%add3A_454, %dma_start3A_457] : memref<4096x4096xf32, #tpu.memory_space<hbm>> -> memref<8x4096xf32, #tpu.memory_space<hbm>>
    tpu.enqueue_dma source(%arg6 : memref<8x4096xf32, #tpu.memory_space<vmem>>) target(%dma_start3A_458 : memref<8x4096xf32, #tpu.memory_space<hbm>>) target_semaphore(%arg8 : memref<!tpu.dma_semaphore, #tpu.memory_space<semaphore_mem>>)
    %dma_wait3A_459 = arith.constant 0 : i32
    %dma_wait3A_460 = tpu.memref_slice %arg3[%add3A_420, %dma_wait3A_459] : memref<4096x4096xf32, #tpu.memory_space<hbm>> -> memref<8x4096xf32, #tpu.memory_space<hbm>>
    %dma_wait3A_461 = arith.constant 0 : i32
    %dma_wait3A_462 = tpu.memref_slice %arg3[%add3A_420, %dma_wait3A_461] : memref<4096x4096xf32, #tpu.memory_space<hbm>> -> memref<8x4096xf32, #tpu.memory_space<hbm>>
    tpu.wait_dma2 semaphore(%arg7 : memref<!tpu.dma_semaphore, #tpu.memory_space<semaphore_mem>>) src(%arg5 : memref<8x4096xf32, #tpu.memory_space<vmem>>) dst(%dma_wait3A_462 : memref<8x4096xf32, #tpu.memory_space<hbm>>)
    %get3A_463 = arith.constant 96 : index
    %get3A_464 = tpu.vector_load %arg4[%get3A_463] {strides = array<i32>} : memref<128xi32, #tpu.memory_space<vmem>>, vector<16xi32>,
    %sub3A_465 = arith.constant 0 : i32
    %sub3A_466 = vector.broadcast %sub3A_465 : i32 to vector<16xi32>
    %sub3A_467 = arith.subi %iota3A, %sub3A_466 : vector<16xi32>
    %ge3A_468 = arith.constant 0 : i32
    %ge3A_469 = vector.broadcast %ge3A_468 : i32 to vector<16xi32>
    %ge3A_470 = arith.cmpi sge, %sub3A_467, %ge3A_469 : vector<16xi32>
    %lt3A_471 = arith.constant 8 : i32
    %lt3A_472 = vector.broadcast %lt3A_471 : i32 to vector<16xi32>
    %lt3A_473 = arith.cmpi slt, %sub3A_467, %lt3A_472 : vector<16xi32>
    %and3A_474 = arith.andi %ge3A_470, %lt3A_473 : vector<16xi1>
    tpu.vector_store_idx %arg5[%sub3A_467, %get3A_464], %broadcast_in_dim3A_3 masked %and3A_474 : memref<8x4096xf32, #tpu.memory_space<vmem>>[vector<16xi32>, vector<16xi32>], vector<16xf32>, vector<16xi1>
    %get3A_475 = arith.constant 112 : index
    %get3A_476 = tpu.vector_load %arg4[%get3A_475] {strides = array<i32>} : memref<128xi32, #tpu.memory_space<vmem>>, vector<16xi32>,
    %sub3A_477 = arith.constant 0 : i32
    %sub3A_478 = vector.broadcast %sub3A_477 : i32 to vector<16xi32>
    %sub3A_479 = arith.subi %iota3A, %sub3A_478 : vector<16xi32>
    %ge3A_480 = arith.constant 0 : i32
    %ge3A_481 = vector.broadcast %ge3A_480 : i32 to vector<16xi32>
    %ge3A_482 = arith.cmpi sge, %sub3A_479, %ge3A_481 : vector<16xi32>
    %lt3A_483 = arith.constant 8 : i32
    %lt3A_484 = vector.broadcast %lt3A_483 : i32 to vector<16xi32>
    %lt3A_485 = arith.cmpi slt, %sub3A_479, %lt3A_484 : vector<16xi32>
    %and3A_486 = arith.andi %ge3A_482, %lt3A_485 : vector<16xi1>
    tpu.vector_store_idx %arg5[%sub3A_479, %get3A_476], %broadcast_in_dim3A_5 masked %and3A_486 : memref<8x4096xf32, #tpu.memory_space<vmem>>[vector<16xi32>, vector<16xi32>], vector<16xf32>, vector<16xi1>
    %add3A_487 = arith.constant 112 : i32
    %add3A_488 = arith.addi %mul3A_2, %add3A_487 : i32
    %dma_start3A_489 = arith.constant 0 : i32
    %dma_start3A_490 = tpu.memref_slice %arg3[%add3A_488, %dma_start3A_489] : memref<4096x4096xf32, #tpu.memory_space<hbm>> -> memref<8x4096xf32, #tpu.memory_space<hbm>>
    %dma_start3A_491 = arith.constant 0 : i32
    %dma_start3A_492 = tpu.memref_slice %arg3[%add3A_488, %dma_start3A_491] : memref<4096x4096xf32, #tpu.memory_space<hbm>> -> memref<8x4096xf32, #tpu.memory_space<hbm>>
    tpu.enqueue_dma source(%arg5 : memref<8x4096xf32, #tpu.memory_space<vmem>>) target(%dma_start3A_492 : memref<8x4096xf32, #tpu.memory_space<hbm>>) target_semaphore(%arg7 : memref<!tpu.dma_semaphore, #tpu.memory_space<semaphore_mem>>)
    %dma_wait3A_493 = arith.constant 0 : i32
    %dma_wait3A_494 = tpu.memref_slice %arg3[%add3A_454, %dma_wait3A_493] : memref<4096x4096xf32, #tpu.memory_space<hbm>> -> memref<8x4096xf32, #tpu.memory_space<hbm>>
    %dma_wait3A_495 = arith.constant 0 : i32
    %dma_wait3A_496 = tpu.memref_slice %arg3[%add3A_454, %dma_wait3A_495] : memref<4096x4096xf32, #tpu.memory_space<hbm>> -> memref<8x4096xf32, #tpu.memory_space<hbm>>
    tpu.wait_dma2 semaphore(%arg8 : memref<!tpu.dma_semaphore, #tpu.memory_space<semaphore_mem>>) src(%arg6 : memref<8x4096xf32, #tpu.memory_space<vmem>>) dst(%dma_wait3A_496 : memref<8x4096xf32, #tpu.memory_space<hbm>>)
    %get3A_497 = arith.constant 104 : index
    %get3A_498 = tpu.vector_load %arg4[%get3A_497] {strides = array<i32>} : memref<128xi32, #tpu.memory_space<vmem>>, vector<16xi32>,
    %sub3A_499 = arith.constant 0 : i32
    %sub3A_500 = vector.broadcast %sub3A_499 : i32 to vector<16xi32>
    %sub3A_501 = arith.subi %iota3A, %sub3A_500 : vector<16xi32>
    %ge3A_502 = arith.constant 0 : i32
    %ge3A_503 = vector.broadcast %ge3A_502 : i32 to vector<16xi32>
    %ge3A_504 = arith.cmpi sge, %sub3A_501, %ge3A_503 : vector<16xi32>
    %lt3A_505 = arith.constant 8 : i32
    %lt3A_506 = vector.broadcast %lt3A_505 : i32 to vector<16xi32>
    %lt3A_507 = arith.cmpi slt, %sub3A_501, %lt3A_506 : vector<16xi32>
    %and3A_508 = arith.andi %ge3A_504, %lt3A_507 : vector<16xi1>
    tpu.vector_store_idx %arg6[%sub3A_501, %get3A_498], %broadcast_in_dim3A_3 masked %and3A_508 : memref<8x4096xf32, #tpu.memory_space<vmem>>[vector<16xi32>, vector<16xi32>], vector<16xf32>, vector<16xi1>
    %get3A_509 = arith.constant 112 : index
    %get3A_510 = tpu.vector_load %arg4[%get3A_509] {strides = array<i32>} : memref<128xi32, #tpu.memory_space<vmem>>, vector<16xi32>,
    %sub3A_511 = arith.constant 8 : i32
    %sub3A_512 = vector.broadcast %sub3A_511 : i32 to vector<16xi32>
    %sub3A_513 = arith.subi %iota3A, %sub3A_512 : vector<16xi32>
    %ge3A_514 = arith.constant 0 : i32
    %ge3A_515 = vector.broadcast %ge3A_514 : i32 to vector<16xi32>
    %ge3A_516 = arith.cmpi sge, %sub3A_513, %ge3A_515 : vector<16xi32>
    %lt3A_517 = arith.constant 8 : i32
    %lt3A_518 = vector.broadcast %lt3A_517 : i32 to vector<16xi32>
    %lt3A_519 = arith.cmpi slt, %sub3A_513, %lt3A_518 : vector<16xi32>
    %and3A_520 = arith.andi %ge3A_516, %lt3A_519 : vector<16xi1>
    tpu.vector_store_idx %arg6[%sub3A_513, %get3A_510], %broadcast_in_dim3A_5 masked %and3A_520 : memref<8x4096xf32, #tpu.memory_space<vmem>>[vector<16xi32>, vector<16xi32>], vector<16xf32>, vector<16xi1>
    %add3A_521 = arith.constant 120 : i32
    %add3A_522 = arith.addi %mul3A_2, %add3A_521 : i32
    %dma_start3A_523 = arith.constant 0 : i32
    %dma_start3A_524 = tpu.memref_slice %arg3[%add3A_522, %dma_start3A_523] : memref<4096x4096xf32, #tpu.memory_space<hbm>> -> memref<8x4096xf32, #tpu.memory_space<hbm>>
    %dma_start3A_525 = arith.constant 0 : i32
    %dma_start3A_526 = tpu.memref_slice %arg3[%add3A_522, %dma_start3A_525] : memref<4096x4096xf32, #tpu.memory_space<hbm>> -> memref<8x4096xf32, #tpu.memory_space<hbm>>
    tpu.enqueue_dma source(%arg6 : memref<8x4096xf32, #tpu.memory_space<vmem>>) target(%dma_start3A_526 : memref<8x4096xf32, #tpu.memory_space<hbm>>) target_semaphore(%arg8 : memref<!tpu.dma_semaphore, #tpu.memory_space<semaphore_mem>>)
    %dma_wait3A_527 = arith.constant 0 : i32
    %dma_wait3A_528 = tpu.memref_slice %arg3[%add3A_488, %dma_wait3A_527] : memref<4096x4096xf32, #tpu.memory_space<hbm>> -> memref<8x4096xf32, #tpu.memory_space<hbm>>
    %dma_wait3A_529 = arith.constant 0 : i32
    %dma_wait3A_530 = tpu.memref_slice %arg3[%add3A_488, %dma_wait3A_529] : memref<4096x4096xf32, #tpu.memory_space<hbm>> -> memref<8x4096xf32, #tpu.memory_space<hbm>>
    tpu.wait_dma2 semaphore(%arg7 : memref<!tpu.dma_semaphore, #tpu.memory_space<semaphore_mem>>) src(%arg5 : memref<8x4096xf32, #tpu.memory_space<vmem>>) dst(%dma_wait3A_530 : memref<8x4096xf32, #tpu.memory_space<hbm>>)
    %dma_wait3A_531 = arith.constant 0 : i32
    %dma_wait3A_532 = tpu.memref_slice %arg3[%add3A_522, %dma_wait3A_531] : memref<4096x4096xf32, #tpu.memory_space<hbm>> -> memref<8x4096xf32, #tpu.memory_space<hbm>>
    %dma_wait3A_533 = arith.constant 0 : i32
    %dma_wait3A_534 = tpu.memref_slice %arg3[%add3A_522, %dma_wait3A_533] : memref<4096x4096xf32, #tpu.memory_space<hbm>> -> memref<8x4096xf32, #tpu.memory_space<hbm>>
    tpu.wait_dma2 semaphore(%arg8 : memref<!tpu.dma_semaphore, #tpu.memory_space<semaphore_mem>>) src(%arg6 : memref<8x4096xf32, #tpu.memory_space<vmem>>) dst(%dma_wait3A_534 : memref<8x4096xf32, #tpu.memory_space<hbm>>)
    return
  }
}

</mosaic_0001>

<sc_bundles>
// kernel: _sc_build.3.cloned.1.call-start
scs
__scs_entry_jumppad:
0x0: {  	(pc) =	sbr.rel $0x88, $3  }
0x1: {  	(tag) =	ssettag $0x0;
	lr =	simm.s32 $0x1  }
0x2: {  	[smem:$0x3FA0] =	sst lr;
	_ =	strace $0xD0000000  }
0x3: {  	_ = 	snop  }
0x4: {  	_ = 	snop  }
0x5: {  	_ = 	snop  }
0x6: {  	_ = 	snop  }
0x7: {  	_ = 	snop  }
__scs_overlays_trampoline_lowered:
0x8: {  	[smem:$0x3FAF] =	sst s0  }
0x9: {  	[smem:$0x3FB0] =	sst s1  }
0xa: {  	[smem:$0x3FB1] =	sst s2  }
0xb: {  	[smem:$0x3FB2] =	sst s3  }
0xc: {  	[smem:$0x3FB3] =	sst s4  }
0xd: {  	[smem:$0x3FB4] =	sst s5  }
0xe: {  	[smem:$0x3FB5] =	sst s6  }
0xf: {  	[smem:$0x3FB6] =	sst s7  }
0x10: {  	[smem:$0x3FB7] =	sst s8  }
0x11: {  	[smem:$0x3FB8] =	sst s9;
	s0 =	simm.s32 @!p0 $0x0  }
0x12: {  	s1 =	sld [smem:$0x3F9E];
	s0 =	simm.s32 @p0 $0x1  }
0x13: {  	[smem:$0x3FB9] =	sst s0;
	s0 =	simm.s32 @!p1 $0x0  }
0x14: {  	s2 =	sld [smem:$0x3F9D];
	s0 =	simm.s32 @p1 $0x1  }
0x15: {  	[smem:$0x3FBA] =	sst s0;
	s0 =	simm.s32 @!p2 $0x0  }
0x16: {  	s3 =	sld [smem:$0x3FDB];
	s0 =	simm.s32 @p2 $0x1  }
0x17: {  	s4 =	simm.s32 $0x1BF5;
	[smem:$0x3FBC] =	sst s0  }
0x18: {  	s0 =	sld [smem:$0x3F9F];
	_ =	swait.ge [sflag:s4], $0x0  }
0x19: {  	s7 =	sld [smem:$0x3FA0]  }
0x1a: {  	s8 =	sadd.s32 $0xFFFFE003, lr  }
0x1b: {  	s9 =	sadd.s32 $0xFFFFFEF7, lr;
	s5 =	simm.s32 $0xFFFFFFFF;
	p2 =	slt.u32 s8, $0xFFFFF086  }
0x1c: {  	p1 =	slt.u32 s9, $0xF7A;
	s5 =	simm.s32 @!p2 $0x0  }
0x1d: {  	s5 =	simm.s32 @p1 $0x1;
	p0 =	seq.s32 s7, s2  }
0x1e: {  	s7 =	smul.u32 @!p0 $0xF7A, s2;
	p2 =	seq.s32 @!p0 s5, $0x0  }
0x1f: {  	s9 =	smul.u32 $0xF7A, s1;
	s8 =	simm.s32 @!p0 $0x1BF5;
	p2 =	por !p2, p0  }
0x20: {  	[sflag:s8] =	ssyncset.s32 @!p0 $0xFFFFF086;
	s6 =	sadd.s32 @!p0 s3, s7;
	s7 =	simm.s32 @!p0 $0x108  }
0x21: {  	s3 =	sadd.s32 s3, s9;
	s6 =	sadd.s32 @!p0 $0x88, s6;
	s7 =	simm.s32 @p2 $0x1082  }
0x22: {  	[simem:s7], [sflag:s8] =	dma.local @!p0 [hbm:s6], $0xF7A  }
0x23: {  	s9 =	sor.u32 $0xD0000000, s2;
	s6 =	simm.s32 $0x108;
	_ =	swait.ge @!p0 [sflag:s8], $0x0  }
0x24: {  	s3 =	sadd.s32 $0x88, s3;
	s6 =	simm.s32 @!p1 $0x1082;
	[sflag:s4] =	ssyncset.s32 $0xFFFFF086  }
0x25: {  	[simem:s6], [sflag:s4] =	dma.local [hbm:s3], $0xF7A  }
0x26: {  	[smem:$0x3FA0] =	sst s1;
	(tag) =	ssettag s2;
	_ =	strace s9  }
0x27: {  	s1 =	sld [smem:$0x3FB0]  }
0x28: {  	s2 =	sld [smem:$0x3FB1]  }
0x29: {  	s4 =	sld [smem:$0x3FB3]  }
0x2a: {  	p0 =	seq.s32 s5, $0x0;
	s5 =	sld [smem:$0x3FB4]  }
0x2b: {  	s6 =	sld [smem:$0x3FB5]  }
0x2c: {  	s7 =	sld [smem:$0x3FB6]  }
0x2d: {  	s3 =	simm.s32 $0x108;
	s8 =	sld [smem:$0x3FB7]  }
0x2e: {  	s3 =	simm.s32 @!p0 $0x1082;
	s9 =	sld [smem:$0x3FB8]  }
0x2f: {  	lr =	sadd.s32 s0, s3;
	s0 =	sld [smem:$0x3FAF]  }
0x30: {  	s3 =	sld [smem:$0x3FB2]  }
0x31: {  	[smem:$0x3FBB] =	sst s10  }
0x32: {  	s10 =	sld [smem:$0x3FB9];
	_ =	sdelay $0x3  }
0x33: {  	p0 =	seq.s32 s10, $0x1;
	s10 =	sld [smem:$0x3FBB];
	_ =	sdelay $0x3  }
0x34: {  	[smem:$0x3FBB] =	sst s10  }
0x35: {  	s10 =	sld [smem:$0x3FBA];
	_ =	sdelay $0x3  }
0x36: {  	p1 =	seq.s32 s10, $0x1;
	s10 =	sld [smem:$0x3FBB];
	_ =	sdelay $0x3  }
0x37: {  	[smem:$0x3FBB] =	sst s10  }
0x38: {  	s10 =	sld [smem:$0x3FBC]  }
0x39: {  	_ = 	snop;
	(pc) =	sbr.ind lr, $3  }
0x3a: {  	_ = 	snop  }
0x3b: {  	_ = 	snop  }
0x3c: {  	p2 =	seq.s32 s10, $0x1;
	s10 =	sld [smem:$0x3FBB]  }
0x3d: {  	_ =	shalt  }
0x3e: {  	_ =	shalt  }
0x3f: {  	_ =	shalt  }
0x40: {  	_ =	shalt  }
0x41: {  	_ =	shalt  }
0x42: {  	_ =	shalt  }
0x43: {  	_ =	shalt  }
0x44: {  	_ =	shalt  }
0x45: {  	_ =	shalt  }
0x46: {  	_ =	shalt  }
0x47: {  	_ =	shalt  }
0x48: {  	_ =	shalt  }
0x49: {  	_ =	shalt  }
0x4a: {  	_ =	shalt  }
0x4b: {  	_ =	shalt  }
0x4c: {  	_ =	shalt  }
0x4d: {  	_ =	shalt  }
0x4e: {  	_ =	shalt  }
0x4f: {  	_ =	shalt  }
0x50: {  	_ =	shalt  }
0x51: {  	_ =	shalt  }
0x52: {  	_ =	shalt  }
0x53: {  	_ =	shalt  }
0x54: {  	_ =	shalt  }
0x55: {  	_ =	shalt  }
0x56: {  	_ =	shalt  }
0x57: {  	_ =	shalt  }
0x58: {  	_ =	shalt  }
0x59: {  	_ =	shalt  }
0x5a: {  	_ =	shalt  }
0x5b: {  	_ =	shalt  }
0x5c: {  	_ =	shalt  }
0x5d: {  	_ =	shalt  }
0x5e: {  	_ =	shalt  }
0x5f: {  	_ =	shalt  }
0x60: {  	_ =	shalt  }
0x61: {  	_ =	shalt  }
0x62: {  	_ =	shalt  }
0x63: {  	_ =	shalt  }
0x64: {  	_ =	shalt  }
0x65: {  	_ =	shalt  }
0x66: {  	_ =	shalt  }
0x67: {  	_ =	shalt  }
0x68: {  	_ =	shalt  }
0x69: {  	_ =	shalt  }
0x6a: {  	_ =	shalt  }
0x6b: {  	_ =	shalt  }
0x6c: {  	_ =	shalt  }
0x6d: {  	_ =	shalt  }
0x6e: {  	_ =	shalt  }
0x6f: {  	_ =	shalt  }
0x70: {  	_ =	shalt  }
0x71: {  	_ =	shalt  }
0x72: {  	_ =	shalt  }
0x73: {  	_ =	shalt  }
0x74: {  	_ =	shalt  }
0x75: {  	_ =	shalt  }
0x76: {  	_ =	shalt  }
0x77: {  	_ =	shalt  }
0x78: {  	_ =	shalt  }
0x79: {  	_ =	shalt  }
0x7a: {  	_ =	shalt  }
0x7b: {  	_ =	shalt  }
0x7c: {  	_ =	shalt  }
0x7d: {  	_ =	shalt  }
0x7e: {  	_ =	shalt  }
0x7f: {  	_ =	shalt  }
0x80: {  	_ =	shalt  }
0x81: {  	_ =	shalt  }
0x82: {  	_ =	shalt  }
0x83: {  	_ =	shalt  }
0x84: {  	_ =	shalt  }
0x85: {  	_ =	shalt  }
0x86: {  	_ =	shalt  }
0x87: {  	_ =	shalt  }
.Lfunc_end0:
.L_simem_size_0:
called_computation_lowered:
.L_overlay_start_0:
0x88: {  	s2 =	sld [smem:$0x3FD9]  }
0x89: {  	s3 =	sld [smem:$0x3FFE];
	_ =	sdelay $0x1  }
0x8a: {  	s1 =	srdreg.scid  }
0x8b: {  	s0 =	sand.u32 $0x1, s1  }
0x8c: {  	s18 =	sshll.u32 s0, $0xA;
	s2 =	sadd.s32 s3, s2  }
0x8d: {  	s2 =	sadd.s32 s2, s18  }
0x8e: {  	[smem:$0x3FC7] =	sst s2  }
0x8f: {  	_ = 	snop  }
0x90: {  	s2 =	sld [smem:$0x3FC9]  }
0x91: {  	s19 =	sld [smem:$0x3FD0];
	(tm) =	ssettm $0x1  }
0x92: {  	s4 =	sld [smem:$0x3FFB];
	_ =	sdelay $0x3  }
0x93: {  	_ =	strace s4  }
0x94: {  	s4 =	sld [smem:$0x3FFC];
	_ =	sdelay $0x3  }
0x95: {  	_ =	strace s4  }
0x96: {  	s4 =	sld [smem:$0x3FFD];
	_ =	sdelay $0x3  }
0x97: {  	_ =	strace s4  }
0x98: {  	_ =	strace $0x8FFFFFFF  }
0x99: {  	s20 =	sld [smem:$0x3FDB];
	_ =	sdelay $0x1  }
0x9a: {  	s5 =	simm.s32 $_scs_section_size  }
0x9b: {  	s6 =	simm.s32 $_size__tile_overlayer_lowered;
	s7 =	simm.s32 $_tile_overlayer_lowered  }
0x9c: {  	s23 =	simm.s32 $0x1BFF;
	s22 =	sshll.u32 s7, $0x1;
	s4 =	sadd.s32 s5, s20  }
0x9d: {  	s8 =	simm.s32 $0x0;
	s21 =	sshll.u32 s6, $0x1;
	s6 =	sadd.s32 s22, s4  }
0x9e: {  	[timem:s8], [sflag:s23] =	dma.local [hbm:s6], s21  }
0x9f: {  	_ =	swait.ge [sflag:s23], s21  }
0xa0: {  	s5 =	ssub.s32 $0x0, s21;
	[sflag:s23] =	ssyncset.done $0x0  }
0xa1: {  	[sflag:s23] =	ssyncadd.s32 s5;
	_ =	sdelay $0x1  }
0xa2: {  	s24 =	simm.s32 $0x1B8B  }
0xa3: {  	_ =	swait.ge [sflag:s24], $0x1  }
0xa4: {  	[sflag:s24] =	ssyncset.done $0x0  }
0xa5: {  	s25 =	simm.s32 $0x1B8E;
	[sflag:s24] =	ssyncadd.s32 $0xFFFFFFFF  }
0xa6: {  	s26 =	simm.s32 $execute0_lowered;
	[smem:$0x3FD2] =	sst s25  }
0xa7: {  	s5 =	sshll.u32 s26, $0x1;
	_ =	strace $0x80000046;
	[dreg:$0x1] =	wrdreg $0xFFFFFFFF  }
0xa8: {  	s28 =	simm.s32 $_size_execute0_lowered;
	s4 =	sadd.s32 s4, s5;
	[dreg:$0x0] =	wrdreg $0x0  }
0xa9: {  	s5 =	sshll.u32 s28, $0x1;
	[dreg:$0x2] =	wrdreg s4  }
0xaa: {  	[dreg:$0x3] =	wrdreg s5  }
0xab: {  	[dreg:$0x4] =	wrdreg $0xC0  }
0xac: {  	_ =	task [dreg:s8], $0x5FFFF  }
0xad: {  	[dreg:$0x1] =	wrdreg $0xFFFFFFFF  }
0xae: {  	[dreg:$0x0] =	wrdreg $0x60  }
0xaf: {  	[dreg:$0x2] =	wrdreg s2  }
0xb0: {  	[dreg:$0x3] =	wrdreg s19  }
0xb1: {  	[dreg:$0x4] =	wrdreg $0x9  }
0xb2: {  	_ =	task.clear_ibuf [dreg:s8], $0x5FFFF;
	_ =	strace $0x90000046  }
0xb3: {  	s29 =	simm.s32 $0x9;
	_ =	strace $0x80000048  }
0xb4: {  	_ =	swait.ge [sflag:s29], $0x1  }
0xb5: {  	[sflag:s29] =	ssyncadd.s32 $0xFFFFFFFF  }
0xb6: {  	_ =	strace $0x90000048  }
0xb7: {  	_ =	sfence  }
0xb8: {  	s30 =	sld [smem:$0x0];
	_ =	sdelay $0x2  }
0xb9: {  	s31 =	sshll.u32 s1, $0xD;
	s1 =	sshrl.u32 s1, $0x2  }
0xba: {  	s3 =	sand.u32 $0x4000, s31;
	s1 =	sadd.s32 s1, s30  }
0xbb: {  	s0 =	sor.u32 s3, s0;
	s1 =	sshll.u32 s1, $0x11  }
0xbc: {  	s0 =	sor.u32 s1, s0  }
0xbd: {  	s0 =	sadd.s32 $0x8F2B, s0  }
0xbe: {  	[sflag:s0] =	ssyncadd.remote.s32 $0x1  }
0xbf: {  	_ =	sfence.sel $0xFFFF  }
0xc0: {  	[dreg:$0x0] =	wrdreg $0xFFFFFFFF;
	(pc) =	sbr.abs _section_cstart, $3  }
0xc1: {  	[dreg:$0x1] =	wrdreg $0xFFFFFFFF  }
0xc2: {  	_ =	task.clear_ibuf [dreg:s8], $0x2FFFF;
	_ =	strace $0x9FFFFFFF  }
0xc3: {  	(tm) =	ssettm $0x7FFFFFFF  }
tec
execute0_lowered:
.L_overlay_start_1:
0x0: {  	(tag) =	ssettag $0x1  }
0x1: {  	v0 =	vimm.s32 $0x8380;
	vm0 =	vcmask $0x300  }
0x2: {  	vm1 =	vcmask $0x704;
	v1 =	vimm.s32 $0x380;
	s0 =	rddreg [dreg:$0x0];
	vm2 =	vcmask $0xB08  }
0x3: {  	s1 =	rddreg [dreg:$0x1];
	v0 =	vsel vm0, $0x0, v0;
	v1 =	vsel vm0, $0xFFFF8000, v1;
	vm0 =	vcmask $0xF0C  }
0x4: {  	s2 =	srdreg.scid;
	s4 =	stileid.u32;
	s21 =	simm.s32 $0x3;
	v0 =	vsel vm1, $0x80, v0;
	v1 =	vsel vm1, $0xFFFF8080, v1;
	vm1 =	vcmask $0x1310  }
0x5: {  	s22 =	simm.s32 $0x1;
	s23 =	simm.s32 $0x80;
	s24 =	simm.s32 $0x8080;
	v0 =	vsel vm2, $0x100, v0;
	v1 =	vsel vm2, $0xFFFF8100, v1;
	vm2 =	vcmask $0x1714  }
0x6: {  	s3 =	sand.u32 $0x1, s2;
	s2 =	simm.s32 $0x0;
	s4 =	sshll.u32 s4, $0x8;
	v0 =	vsel vm0, $0x180, v0;
	v1 =	vsel vm0, $0xFFFF8180, v1;
	vm0 =	vcmask $0x1B18  }
0x7: {  	s5 =	sshll.u32 s3, $0x7;
	[smem:$0x7FF] =	sst s2;
	s25 =	ssub.s32 $0x2, s3;
	v0 =	vsel vm1, $0x200, v0;
	v1 =	vsel vm1, $0xFFFF8200, v1;
	vm1 =	vcmask $0x1F1C  }
0x8: {  	s4 =	sor.u32 s5, s4;
	_ =	strace $0x80000047;
	s6 =	sshrl.u32 s25, $0x1;
	v0 =	vsel vm2, $0x280, v0;
	v1 =	vsel vm2, $0xFFFF8280, v1;
	vm2 =	vcmask $0x2320  }
0x9: {  	s26 =	sshll.u32 s4, $0x9;
	s4 =	sshrl.u32 s4, $0x3;
	s28 =	ssub.s32 s25, s6;
	v0 =	vsel vm0, $0x300, v0;
	v1 =	vsel vm0, $0xFFFF8300, v1;
	vm0 =	vcmask $0x2724  }
0xa: {  	s25 =	simm.s32 $0x2;
	s3 =	sadd.s32 s1, s26;
	s0 =	sadd.s32 s0, s4;
	v0 =	vsel vm1, $0x380, v0;
	v1 =	vsel vm1, $0xFFFF8380, v1;
	vm1 =	vcmask $0x2B28  }
0xb: {  	s20 =	smax.u32 s28, $0x1;
	s26 =	simm.s32 $0x0;
	[dreg:$0x3] =	wrdreg s0;
	v0 =	vsel vm2, $0x8000, v0;
	v1 =	vsel vm2, $0x0, v1;
	vm2 =	vcmask $0x2F2C  }
0xc: {  	s29 =	sadd.s32 $0x1000, s3;
	s30 =	sadd.s32 $0x2000, s3;
	s31 =	sadd.s32 $0x3000, s3;
	v0 =	vsel vm0, $0x8080, v0;
	v1 =	vsel vm0, $0x80, v1;
	vm0 =	vcmask $0x3330  }
0xd: {  	s8 =	sadd.s32 $0x4000, s3;
	s9 =	sadd.s32 $0x5000, s3;
	s10 =	sadd.s32 $0x6000, s3;
	v0 =	vsel vm1, $0x8100, v0;
	v1 =	vsel vm1, $0x100, v1;
	vm1 =	vcmask $0x3734  }
0xe: {  	s11 =	sadd.s32 $0x7000, s3;
	s12 =	sadd.s32 $0x8000, s3;
	s13 =	sadd.s32 $0x9000, s3;
	v0 =	vsel vm2, $0x8180, v0;
	v1 =	vsel vm2, $0x180, v1;
	vm2 =	vcmask $0x3B38  }
0xf: {  	s14 =	sadd.s32 $0xA000, s3;
	s15 =	sadd.s32 $0xB000, s3;
	[dreg:$0x4] =	wrdreg s29;
	v0 =	vsel vm0, $0x8200, v0;
	v3 =	vsel vm0, $0x200, v1;
	vm0 =	vcmask $0x3F20  }
0x10: {  	s16 =	sadd.s32 $0xC000, s3;
	s17 =	sadd.s32 $0xD000, s3;
	[dreg:$0x5] =	wrdreg s30;
	v2 =	vsel vm1, $0x8280, v0;
	v0 =	vimm.f32 $0.0e+00;
	v3 =	vsel vm1, $0x280, v3  }
0x11: {  	s18 =	sadd.s32 $0xE000, s3;
	s19 =	sadd.s32 $0xF000, s3;
	[dreg:$0x6] =	wrdreg s31;
	v1 =	vsel vm2, $0x8300, v2;
	v2 =	vimm.f32 $1.000000000e+00;
	v3 =	vsel vm2, $0x300, v3  }
.LBB2_1:
0x12: {  	s0 =	rddreg [dreg:$0x3]  }
0x13: {  	[tilespmem:s2], [sflag:$0x3] =	stream.linear.gather [hbm4b:s0+s2], $0x80, $0x38;
	[tilespmem:$0x10080] =	vst v63  }
0x14: {  	s6 =	sand.u32 $0x40, s2;
	_ =	swait.ge [sflag:s21], $0x80  }
0x15: {  	s1 =	sand.u32 $0x7C00, s2;
	p0 =	por $0x0, $0x0;
	[sflag:s21] =	ssyncset.done $0x0  }
0x16: {  	s4 =	simm.s32 $0x1;
	s0 =	sor.u32 s6, s1;
	[sflag:s21] =	ssyncadd.s32 $0xFFFFFF80  }
0x17: {  	s4 =	simm.s32 @!p0 $0x0;
	[tilespmem:s0+$0x180] =	vst v0  }
0x18: {  	s28 =	sshll.u32 s4, $0x6;
	[tilespmem:s0+$0x100] =	vst v0  }
0x19: {  	s1 =	sadd.s32 $0x0, s28;
	[tilespmem:s0+$0x80] =	vst v0  }
0x1a: {  	s7 =	sor.u32 $0x200, s1;
	[tilespmem:s0+$0x200] =	vst v0  }
0x1b: {  	s5 =	sor.u32 $0x280, s1;
	[tilespmem:s7+$0x80] =	vst v0  }
0x1c: {  	s6 =	sor.u32 $0x300, s1;
	[tilespmem:s5+$0x80] =	vst v0  }
0x1d: {  	s7 =	sor.u32 $0x380, s1;
	[tilespmem:s6+$0x80] =	vst v0  }
0x1e: {  	[tilespmem:s7+$0x80] =	vst v0  }
0x1f: {  	[tilespmem:s0+$0x210] =	vst v0  }
0x20: {  	[tilespmem:s0+$0x110] =	vst v0  }
0x21: {  	s5 =	sadd.s32 $0x10, s1;
	[tilespmem:s0+$0x90] =	vst v0  }
0x22: {  	s29 =	sor.u32 $0x200, s5;
	[tilespmem:s0+$0x190] =	vst v0  }
0x23: {  	[tilespmem:s29+$0x80] =	vst v0;
	s29 =	sor.u32 $0x280, s5  }
0x24: {  	[tilespmem:s29+$0x80] =	vst v0;
	s29 =	sor.u32 $0x300, s5  }
0x25: {  	s4 =	sor.u32 $0x380, s5;
	[tilespmem:s29+$0x80] =	vst v0  }
0x26: {  	[tilespmem:s4+$0x80] =	vst v0  }
0x27: {  	[tilespmem:s0+$0x120] =	vst v0  }
0x28: {  	[tilespmem:s0+$0x220] =	vst v0  }
0x29: {  	s6 =	sadd.s32 $0x20, s1;
	[tilespmem:s0+$0x1A0] =	vst v0  }
0x2a: {  	s29 =	sor.u32 $0x200, s6;
	[tilespmem:s0+$0xA0] =	vst v0  }
0x2b: {  	[tilespmem:s29+$0x80] =	vst v0;
	s29 =	sor.u32 $0x280, s6  }
0x2c: {  	[tilespmem:s29+$0x80] =	vst v0;
	s29 =	sor.u32 $0x300, s6  }
0x2d: {  	s4 =	sor.u32 $0x380, s6;
	[tilespmem:s29+$0x80] =	vst v0  }
0x2e: {  	[tilespmem:s4+$0x80] =	vst v0  }
0x2f: {  	[tilespmem:s0+$0x230] =	vst v0  }
0x30: {  	[tilespmem:s0+$0x130] =	vst v0  }
0x31: {  	s1 =	sadd.s32 $0x30, s1;
	[tilespmem:s0+$0xB0] =	vst v0  }
0x32: {  	s31 =	simm.s32 $0x40;
	s7 =	sor.u32 $0x200, s1;
	[tilespmem:s0+$0x1B0] =	vst v0  }
0x33: {  	p1 =	por !p0, !p0;
	s30 =	sor.u32 $0x280, s1;
	s29 =	simm.s32 $0x0;
	[tilespmem:s7+$0x80] =	vst v0  }
0x34: {  	s0 =	sor.u32 $0x300, s1;
	s1 =	sor.u32 $0x380, s1;
	[tilespmem:s30+$0x80] =	vst v0;
	s30 =	simm.s32 $0x200  }
.LBB2_2:
0x35: {  	s4 =	sand.u32 $0x40, s31  }
0x36: {  	s5 =	sand.u32 $0x7C00, s30;
	s29 =	sadd.s32 $0x4, s29;
	[tilespmem:s0+$0x80] =	vst v0;
	s6 =	simm.s32 $0x1  }
0x37: {  	s6 =	simm.s32 @!p1 $0x0;
	s0 =	sor.u32 s4, s5;
	p2 =	slt.u32 s29, $0xFC;
	[tilespmem:s1+$0x80] =	vst v0  }
0x38: {  	s1 =	sshll.u32 s6, $0x6;
	[tilespmem:s0+$0x180] =	vst v0  }
0x39: {  	s4 =	sadd.s32 s1, s30;
	[tilespmem:s0+$0x100] =	vst v0  }
0x3a: {  	[tilespmem:s0+$0x80] =	vst v0;
	s5 =	sor.u32 $0x200, s4;
	s6 =	sadd.s32 $0x10, s4;
	s7 =	sadd.s32 $0x20, s4  }
0x3b: {  	s1 =	sadd.s32 $0x30, s4;
	[tilespmem:s0+$0x200] =	vst v0  }
0x3c: {  	[tilespmem:s5+$0x80] =	vst v0;
	s5 =	sor.u32 $0x280, s4  }
0x3d: {  	[tilespmem:s5+$0x80] =	vst v0;
	s5 =	sor.u32 $0x300, s4  }
0x3e: {  	s4 =	sor.u32 $0x380, s4;
	[tilespmem:s5+$0x80] =	vst v0  }
0x3f: {  	[tilespmem:s4+$0x80] =	vst v0  }
0x40: {  	[tilespmem:s0+$0x210] =	vst v0  }
0x41: {  	[tilespmem:s0+$0x110] =	vst v0  }
0x42: {  	[tilespmem:s0+$0x90] =	vst v0  }
0x43: {  	s4 =	sor.u32 $0x200, s6;
	[tilespmem:s0+$0x190] =	vst v0  }
0x44: {  	[tilespmem:s4+$0x80] =	vst v0;
	s4 =	sor.u32 $0x280, s6  }
0x45: {  	[tilespmem:s4+$0x80] =	vst v0;
	s4 =	sor.u32 $0x300, s6  }
0x46: {  	[tilespmem:s4+$0x80] =	vst v0;
	s4 =	sor.u32 $0x380, s6  }
0x47: {  	[tilespmem:s4+$0x80] =	vst v0  }
0x48: {  	[tilespmem:s0+$0x120] =	vst v0  }
0x49: {  	[tilespmem:s0+$0x220] =	vst v0  }
0x4a: {  	[tilespmem:s0+$0x1A0] =	vst v0  }
0x4b: {  	s4 =	sor.u32 $0x200, s7;
	[tilespmem:s0+$0xA0] =	vst v0  }
0x4c: {  	[tilespmem:s4+$0x80] =	vst v0;
	s4 =	sor.u32 $0x280, s7  }
0x4d: {  	[tilespmem:s4+$0x80] =	vst v0;
	s4 =	sor.u32 $0x300, s7  }
0x4e: {  	[tilespmem:s4+$0x80] =	vst v0;
	s4 =	sor.u32 $0x380, s7  }
0x4f: {  	[tilespmem:s4+$0x80] =	vst v0  }
0x50: {  	[tilespmem:s0+$0x230] =	vst v0  }
.Ltmp0:
0x51: {  	[tilespmem:s0+$0x130] =	vst v0;
	(pc) =	sbr.rel @p2 .LBB2_2-.Ltmp0, $4  }
0x52: {  	s4 =	sor.u32 $0x200, s1;
	[tilespmem:s0+$0xB0] =	vst v0  }
0x53: {  	s5 =	sor.u32 $0x280, s1;
	[tilespmem:s0+$0x1B0] =	vst v0  }
0x54: {  	p1 =	por !p1, !p1;
	s0 =	sor.u32 $0x300, s1;
	[tilespmem:s4+$0x80] =	vst v0;
	s4 =	simm.s32 $0x0  }
0x55: {  	s31 =	sadd.s32 $0x40, s31;
	s30 =	sadd.s32 $0x200, s30;
	s1 =	sor.u32 $0x380, s1;
	[tilespmem:s5+$0x80] =	vst v0  }
0x56: {  	[tilespmem:s0+$0x80] =	vst v0;
	s5 =	sand.u32 $0x40, s4;
	s6 =	sand.u32 $0x7C00, s4  }
0x57: {  	[tilespmem:s1+$0x80] =	vst v0;
	s0 =	sor.u32 s5, s6  }
0x58: {  	[tilespmem:s0+$0x8180] =	vst v0  }
0x59: {  	[tilespmem:s0+$0x8100] =	vst v0  }
0x5a: {  	s1 =	sadd.s32 $0x0, s28;
	[tilespmem:s0+$0x8080] =	vst v0  }
0x5b: {  	s7 =	sor.u32 $0x200, s1;
	[tilespmem:s0+$0x8200] =	vst v0  }
0x5c: {  	s31 =	sor.u32 $0x280, s1;
	[tilespmem:s7+$0x8080] =	vst v0  }
0x5d: {  	s5 =	sor.u32 $0x300, s1;
	[tilespmem:s31+$0x8080] =	vst v0  }
0x5e: {  	s6 =	sor.u32 $0x380, s1;
	[tilespmem:s5+$0x8080] =	vst v0  }
0x5f: {  	[tilespmem:s6+$0x8080] =	vst v0  }
0x60: {  	[tilespmem:s0+$0x8210] =	vst v0  }
0x61: {  	[tilespmem:s0+$0x8110] =	vst v0  }
0x62: {  	s7 =	sadd.s32 $0x10, s1;
	[tilespmem:s0+$0x8090] =	vst v0  }
0x63: {  	s5 =	sor.u32 $0x200, s7;
	[tilespmem:s0+$0x8190] =	vst v0  }
0x64: {  	s31 =	sor.u32 $0x280, s7;
	[tilespmem:s5+$0x8080] =	vst v0  }
0x65: {  	s6 =	sor.u32 $0x300, s7;
	[tilespmem:s31+$0x8080] =	vst v0  }
0x66: {  	s4 =	sor.u32 $0x380, s7;
	[tilespmem:s6+$0x8080] =	vst v0  }
0x67: {  	[tilespmem:s4+$0x8080] =	vst v0  }
0x68: {  	[tilespmem:s0+$0x8120] =	vst v0  }
0x69: {  	[tilespmem:s0+$0x8220] =	vst v0  }
0x6a: {  	s4 =	sadd.s32 $0x20, s1;
	[tilespmem:s0+$0x81A0] =	vst v0  }
0x6b: {  	[tilespmem:s0+$0x80A0] =	vst v0;
	s7 =	sor.u32 $0x200, s4  }
0x6c: {  	s31 =	sor.u32 $0x280, s4;
	[tilespmem:s7+$0x8080] =	vst v0  }
0x6d: {  	s6 =	sor.u32 $0x300, s4;
	[tilespmem:s31+$0x8080] =	vst v0  }
0x6e: {  	s4 =	sor.u32 $0x380, s4;
	[tilespmem:s6+$0x8080] =	vst v0  }
0x6f: {  	[tilespmem:s4+$0x8080] =	vst v0  }
0x70: {  	[tilespmem:s0+$0x8230] =	vst v0  }
0x71: {  	[tilespmem:s0+$0x8130] =	vst v0  }
0x72: {  	s1 =	sadd.s32 $0x30, s1;
	[tilespmem:s0+$0x80B0] =	vst v0  }
0x73: {  	p0 =	por !p0, !p0;
	s7 =	sor.u32 $0x200, s1;
	[tilespmem:s0+$0x81B0] =	vst v0  }
0x74: {  	s29 =	simm.s32 $0x200;
	s30 =	simm.s32 $0x40;
	s31 =	sor.u32 $0x280, s1;
	[tilespmem:s7+$0x8080] =	vst v0  }
0x75: {  	s28 =	simm.s32 $0x0;
	s0 =	sor.u32 $0x300, s1;
	s1 =	sor.u32 $0x380, s1;
	[tilespmem:s31+$0x8080] =	vst v0  }
.LBB2_4:
0x76: {  	s4 =	sand.u32 $0x40, s30  }
0x77: {  	s5 =	sand.u32 $0x7C00, s29;
	s28 =	sadd.s32 $0x4, s28;
	[tilespmem:s0+$0x8080] =	vst v0;
	s6 =	simm.s32 $0x1  }
0x78: {  	s6 =	simm.s32 @!p0 $0x0;
	s0 =	sor.u32 s4, s5;
	p1 =	slt.u32 s28, $0xFC;
	[tilespmem:s1+$0x8080] =	vst v0  }
0x79: {  	s1 =	sshll.u32 s6, $0x6;
	[tilespmem:s0+$0x8180] =	vst v0  }
0x7a: {  	s4 =	sadd.s32 s1, s29;
	[tilespmem:s0+$0x8100] =	vst v0  }
0x7b: {  	[tilespmem:s0+$0x8080] =	vst v0;
	s5 =	sor.u32 $0x200, s4;
	s6 =	sadd.s32 $0x10, s4;
	s7 =	sadd.s32 $0x20, s4  }
0x7c: {  	s1 =	sadd.s32 $0x30, s4;
	[tilespmem:s0+$0x8200] =	vst v0  }
0x7d: {  	[tilespmem:s5+$0x8080] =	vst v0;
	s5 =	sor.u32 $0x280, s4  }
0x7e: {  	[tilespmem:s5+$0x8080] =	vst v0;
	s5 =	sor.u32 $0x300, s4  }
0x7f: {  	s4 =	sor.u32 $0x380, s4;
	[tilespmem:s5+$0x8080] =	vst v0  }
0x80: {  	[tilespmem:s4+$0x8080] =	vst v0  }
0x81: {  	[tilespmem:s0+$0x8210] =	vst v0  }
0x82: {  	[tilespmem:s0+$0x8110] =	vst v0  }
0x83: {  	[tilespmem:s0+$0x8090] =	vst v0  }
0x84: {  	s4 =	sor.u32 $0x200, s6;
	[tilespmem:s0+$0x8190] =	vst v0  }
0x85: {  	[tilespmem:s4+$0x8080] =	vst v0;
	s4 =	sor.u32 $0x280, s6  }
0x86: {  	[tilespmem:s4+$0x8080] =	vst v0;
	s4 =	sor.u32 $0x300, s6  }
0x87: {  	[tilespmem:s4+$0x8080] =	vst v0;
	s4 =	sor.u32 $0x380, s6  }
0x88: {  	[tilespmem:s4+$0x8080] =	vst v0  }
0x89: {  	[tilespmem:s0+$0x8120] =	vst v0  }
0x8a: {  	[tilespmem:s0+$0x8220] =	vst v0  }
0x8b: {  	[tilespmem:s0+$0x81A0] =	vst v0  }
0x8c: {  	s4 =	sor.u32 $0x200, s7;
	[tilespmem:s0+$0x80A0] =	vst v0  }
0x8d: {  	[tilespmem:s4+$0x8080] =	vst v0;
	s4 =	sor.u32 $0x280, s7  }
0x8e: {  	[tilespmem:s4+$0x8080] =	vst v0;
	s4 =	sor.u32 $0x300, s7  }
0x8f: {  	[tilespmem:s4+$0x8080] =	vst v0;
	s4 =	sor.u32 $0x380, s7  }
0x90: {  	[tilespmem:s4+$0x8080] =	vst v0  }
0x91: {  	[tilespmem:s0+$0x8230] =	vst v0  }
.Ltmp1:
0x92: {  	[tilespmem:s0+$0x8130] =	vst v0;
	(pc) =	sbr.rel @p1 .LBB2_4-.Ltmp1, $4  }
0x93: {  	s4 =	sor.u32 $0x200, s1;
	[tilespmem:s0+$0x80B0] =	vst v0  }
0x94: {  	s5 =	sor.u32 $0x280, s1;
	[tilespmem:s0+$0x81B0] =	vst v0  }
0x95: {  	p0 =	por !p0, !p0;
	s0 =	sor.u32 $0x300, s1;
	[tilespmem:s4+$0x8080] =	vst v0  }
0x96: {  	s30 =	sadd.s32 $0x40, s30;
	s29 =	sadd.s32 $0x200, s29;
	s1 =	sor.u32 $0x380, s1;
	[tilespmem:s5+$0x8080] =	vst v0  }
0x97: {  	[tilespmem:s0+$0x8080] =	vst v0  }
0x98: {  	[tilespmem:s1+$0x8080] =	vst v0  }
0x99: {  	v4 =	vld [tilespmem:$0x0];
	_ =	sdelay $0x4  }
0x9a: {  	v5 =	vshll.u32 v4, $0x3  }
0x9b: {  	v4 =	vand.u32 $0x7F, v4;
	v5 =	vand.u32 $0xFFFFFC00, v5  }
0x9c: {  	v4 =	vor.u32 v4, v5  }
0x9d: {  	v4 =	vadd.s32 v1, v4;
	_ =	sdelay $0x4  }
0x9e: {  	[tilespmem:v4+s23+$0x0] =	vst.idx.msk $0xff, v2  }
0x9f: {  	[hbm4b:s3+s2] =	stream.linear.scatter [tilespmem:s23], [sflag:$0x1], $0x8000, $0x38;
	[tilespmem:$0x10080] =	vst v63  }
0xa0: {  	v4 =	vld [tilespmem:$0x8];
	_ =	sdelay $0x4  }
0xa1: {  	v5 =	vshll.u32 v4, $0x3  }
0xa2: {  	v4 =	vand.u32 $0x7F, v4;
	v5 =	vand.u32 $0xFFFFFC00, v5  }
0xa3: {  	v4 =	vor.u32 v4, v5  }
0xa4: {  	v4 =	vadd.s32 v1, v4;
	_ =	sdelay $0x4  }
0xa5: {  	s29 =	rddreg [dreg:$0x4];
	[tilespmem:v4+s24+$0x0] =	vst.idx.msk $0xff, v2  }
0xa6: {  	[hbm4b:s29+s2] =	stream.linear.scatter [tilespmem:s24], [sflag:$0x2], $0x8000, $0x38;
	[tilespmem:$0x10080] =	vst v63  }
0xa7: {  	_ =	swait.ge [sflag:s22], $0x8000  }
0xa8: {  	[sflag:s22] =	ssyncset.done $0x0  }
0xa9: {  	[sflag:s22] =	ssyncadd.s32 $0xFFFF8000  }
0xaa: {  	v4 =	vld [tilespmem:$0x0];
	_ =	sdelay $0x4  }
0xab: {  	v5 =	vshll.u32 v4, $0x3  }
0xac: {  	v4 =	vand.u32 $0x7F, v4;
	v5 =	vand.u32 $0xFFFFFC00, v5  }
0xad: {  	v4 =	vor.u32 v4, v5  }
0xae: {  	v4 =	vadd.s32 v1, v4;
	_ =	sdelay $0x4  }
0xaf: {  	[tilespmem:v4+s23+$0x0] =	vst.idx.msk $0xff, v0  }
0xb0: {  	v4 =	vld [tilespmem:$0x10];
	_ =	sdelay $0x4  }
0xb1: {  	v5 =	vshll.u32 v4, $0x3  }
0xb2: {  	v4 =	vand.u32 $0x7F, v4;
	v5 =	vand.u32 $0xFFFFFC00, v5  }
0xb3: {  	v4 =	vor.u32 v4, v5  }
0xb4: {  	v4 =	vadd.s32 v1, v4;
	_ =	sdelay $0x4  }
0xb5: {  	s30 =	rddreg [dreg:$0x5];
	[tilespmem:v4+s23+$0x0] =	vst.idx.msk $0xff, v2  }
0xb6: {  	[hbm4b:s30+s2] =	stream.linear.scatter [tilespmem:s23], [sflag:$0x1], $0x8000, $0x38;
	[tilespmem:$0x10080] =	vst v63  }
0xb7: {  	_ =	swait.ge [sflag:s25], $0x8000  }
0xb8: {  	[sflag:s25] =	ssyncset.done $0x0  }
0xb9: {  	[sflag:s25] =	ssyncadd.s32 $0xFFFF8000  }
0xba: {  	v4 =	vld [tilespmem:$0x8];
	_ =	sdelay $0x4  }
0xbb: {  	v5 =	vshll.u32 v4, $0x3  }
0xbc: {  	v4 =	vand.u32 $0x7F, v4;
	v5 =	vand.u32 $0xFFFFFC00, v5  }
0xbd: {  	v4 =	vor.u32 v4, v5  }
0xbe: {  	v4 =	vadd.s32 v1, v4;
	_ =	sdelay $0x4  }
0xbf: {  	[tilespmem:v4+s24+$0x0] =	vst.idx.msk $0xff, v0  }
0xc0: {  	v4 =	vld [tilespmem:$0x18];
	_ =	sdelay $0x4  }
0xc1: {  	v5 =	vshll.u32 v4, $0x3  }
0xc2: {  	v4 =	vand.u32 $0x7F, v4;
	v5 =	vand.u32 $0xFFFFFC00, v5  }
0xc3: {  	v4 =	vor.u32 v4, v5  }
0xc4: {  	v4 =	vadd.s32 v1, v4;
	_ =	sdelay $0x4  }
0xc5: {  	s31 =	rddreg [dreg:$0x6];
	[tilespmem:v4+s24+$0x0] =	vst.idx.msk $0xff, v2  }
0xc6: {  	[hbm4b:s31+s2] =	stream.linear.scatter [tilespmem:s24], [sflag:$0x2], $0x8000, $0x38;
	[tilespmem:$0x10080] =	vst v63  }
0xc7: {  	_ =	swait.ge [sflag:s22], $0x8000  }
0xc8: {  	[sflag:s22] =	ssyncset.done $0x0  }
0xc9: {  	[sflag:s22] =	ssyncadd.s32 $0xFFFF8000  }
0xca: {  	v4 =	vld [tilespmem:$0x10];
	_ =	sdelay $0x4  }
0xcb: {  	v5 =	vshll.u32 v4, $0x3  }
0xcc: {  	v4 =	vand.u32 $0x7F, v4;
	v5 =	vand.u32 $0xFFFFFC00, v5  }
0xcd: {  	v4 =	vor.u32 v4, v5  }
0xce: {  	v4 =	vadd.s32 v1, v4;
	_ =	sdelay $0x4  }
0xcf: {  	[tilespmem:v4+s23+$0x0] =	vst.idx.msk $0xff, v0  }
0xd0: {  	v4 =	vld [tilespmem:$0x20];
	_ =	sdelay $0x4  }
0xd1: {  	v5 =	vshll.u32 v4, $0x3  }
0xd2: {  	v4 =	vand.u32 $0x7F, v4;
	v5 =	vand.u32 $0xFFFFFC00, v5  }
0xd3: {  	v4 =	vor.u32 v4, v5  }
0xd4: {  	v4 =	vadd.s32 v1, v4;
	_ =	sdelay $0x4  }
0xd5: {  	[tilespmem:v4+s23+$0x0] =	vst.idx.msk $0xff, v2  }
0xd6: {  	[hbm4b:s8+s2] =	stream.linear.scatter [tilespmem:s23], [sflag:$0x1], $0x8000, $0x38;
	[tilespmem:$0x10080] =	vst v63  }
0xd7: {  	_ =	swait.ge [sflag:s25], $0x8000  }
0xd8: {  	[sflag:s25] =	ssyncset.done $0x0  }
0xd9: {  	[sflag:s25] =	ssyncadd.s32 $0xFFFF8000  }
0xda: {  	v4 =	vld [tilespmem:$0x18];
	_ =	sdelay $0x4  }
0xdb: {  	v5 =	vshll.u32 v4, $0x3  }
0xdc: {  	v4 =	vand.u32 $0x7F, v4;
	v5 =	vand.u32 $0xFFFFFC00, v5  }
0xdd: {  	v4 =	vor.u32 v4, v5  }
0xde: {  	v4 =	vadd.s32 v1, v4;
	_ =	sdelay $0x4  }
0xdf: {  	[tilespmem:v4+s24+$0x0] =	vst.idx.msk $0xff, v0  }
0xe0: {  	v4 =	vld [tilespmem:$0x28];
	_ =	sdelay $0x4  }
0xe1: {  	v5 =	vshll.u32 v4, $0x3  }
0xe2: {  	v4 =	vand.u32 $0x7F, v4;
	v5 =	vand.u32 $0xFFFFFC00, v5  }
0xe3: {  	v4 =	vor.u32 v4, v5  }
0xe4: {  	v4 =	vadd.s32 v1, v4;
	_ =	sdelay $0x4  }
0xe5: {  	[tilespmem:v4+s24+$0x0] =	vst.idx.msk $0xff, v2  }
0xe6: {  	[hbm4b:s9+s2] =	stream.linear.scatter [tilespmem:s24], [sflag:$0x2], $0x8000, $0x38;
	[tilespmem:$0x10080] =	vst v63  }
0xe7: {  	_ =	swait.ge [sflag:s22], $0x8000  }
0xe8: {  	[sflag:s22] =	ssyncset.done $0x0  }
0xe9: {  	[sflag:s22] =	ssyncadd.s32 $0xFFFF8000  }
0xea: {  	v4 =	vld [tilespmem:$0x20];
	_ =	sdelay $0x4  }
0xeb: {  	v5 =	vshll.u32 v4, $0x3  }
0xec: {  	v4 =	vand.u32 $0x7F, v4;
	v5 =	vand.u32 $0xFFFFFC00, v5  }
0xed: {  	v4 =	vor.u32 v4, v5  }
0xee: {  	v4 =	vadd.s32 v1, v4;
	_ =	sdelay $0x4  }
0xef: {  	[tilespmem:v4+s23+$0x0] =	vst.idx.msk $0xff, v0  }
0xf0: {  	v4 =	vld [tilespmem:$0x30];
	_ =	sdelay $0x4  }
0xf1: {  	v5 =	vshll.u32 v4, $0x3  }
0xf2: {  	v4 =	vand.u32 $0x7F, v4;
	v5 =	vand.u32 $0xFFFFFC00, v5  }
0xf3: {  	v4 =	vor.u32 v4, v5  }
0xf4: {  	v4 =	vadd.s32 v1, v4;
	_ =	sdelay $0x4  }
0xf5: {  	[tilespmem:v4+s23+$0x0] =	vst.idx.msk $0xff, v2  }
0xf6: {  	[hbm4b:s10+s2] =	stream.linear.scatter [tilespmem:s23], [sflag:$0x1], $0x8000, $0x38;
	[tilespmem:$0x10080] =	vst v63  }
0xf7: {  	_ =	swait.ge [sflag:s25], $0x8000  }
0xf8: {  	[sflag:s25] =	ssyncset.done $0x0  }
0xf9: {  	[sflag:s25] =	ssyncadd.s32 $0xFFFF8000  }
0xfa: {  	v4 =	vld [tilespmem:$0x28];
	_ =	sdelay $0x4  }
0xfb: {  	v5 =	vshll.u32 v4, $0x3  }
0xfc: {  	v4 =	vand.u32 $0x7F, v4;
	v5 =	vand.u32 $0xFFFFFC00, v5  }
0xfd: {  	v4 =	vor.u32 v4, v5  }
0xfe: {  	v4 =	vadd.s32 v1, v4;
	_ =	sdelay $0x4  }
0xff: {  	[tilespmem:v4+s24+$0x0] =	vst.idx.msk $0xff, v0  }
0x100: {  	v4 =	vld [tilespmem:$0x38];
	_ =	sdelay $0x4  }
0x101: {  	v5 =	vshll.u32 v4, $0x3  }
0x102: {  	v4 =	vand.u32 $0x7F, v4;
	v5 =	vand.u32 $0xFFFFFC00, v5  }
0x103: {  	v4 =	vor.u32 v4, v5  }
0x104: {  	v4 =	vadd.s32 v1, v4;
	_ =	sdelay $0x4  }
0x105: {  	[tilespmem:v4+s24+$0x0] =	vst.idx.msk $0xff, v2  }
0x106: {  	[hbm4b:s11+s2] =	stream.linear.scatter [tilespmem:s24], [sflag:$0x2], $0x8000, $0x38;
	[tilespmem:$0x10080] =	vst v63  }
0x107: {  	_ =	swait.ge [sflag:s22], $0x8000  }
0x108: {  	[sflag:s22] =	ssyncset.done $0x0  }
0x109: {  	[sflag:s22] =	ssyncadd.s32 $0xFFFF8000  }
0x10a: {  	v4 =	vld [tilespmem:$0x30];
	_ =	sdelay $0x4  }
0x10b: {  	v5 =	vshll.u32 v4, $0x3  }
0x10c: {  	v4 =	vand.u32 $0x7F, v4;
	v5 =	vand.u32 $0xFFFFFC00, v5  }
0x10d: {  	v4 =	vor.u32 v4, v5  }
0x10e: {  	v4 =	vadd.s32 v1, v4;
	_ =	sdelay $0x4  }
0x10f: {  	[tilespmem:v4+s23+$0x0] =	vst.idx.msk $0xff, v0  }
0x110: {  	v4 =	vld [tilespmem:$0x40];
	_ =	sdelay $0x4  }
0x111: {  	v5 =	vshll.u32 v4, $0x3  }
0x112: {  	v4 =	vand.u32 $0x7F, v4;
	v5 =	vand.u32 $0xFFFFFC00, v5  }
0x113: {  	v4 =	vor.u32 v4, v5  }
0x114: {  	v4 =	vadd.s32 v1, v4;
	_ =	sdelay $0x4  }
0x115: {  	[tilespmem:v4+s23+$0x0] =	vst.idx.msk $0xff, v2  }
0x116: {  	[hbm4b:s12+s2] =	stream.linear.scatter [tilespmem:s23], [sflag:$0x1], $0x8000, $0x38;
	[tilespmem:$0x10080] =	vst v63  }
0x117: {  	_ =	swait.ge [sflag:s25], $0x8000  }
0x118: {  	[sflag:s25] =	ssyncset.done $0x0  }
0x119: {  	[sflag:s25] =	ssyncadd.s32 $0xFFFF8000  }
0x11a: {  	v4 =	vld [tilespmem:$0x38];
	_ =	sdelay $0x4  }
0x11b: {  	v5 =	vshll.u32 v4, $0x3  }
0x11c: {  	v4 =	vand.u32 $0x7F, v4;
	v5 =	vand.u32 $0xFFFFFC00, v5  }
0x11d: {  	v4 =	vor.u32 v4, v5  }
0x11e: {  	v4 =	vadd.s32 v1, v4;
	_ =	sdelay $0x4  }
0x11f: {  	[tilespmem:v4+s24+$0x0] =	vst.idx.msk $0xff, v0  }
0x120: {  	v4 =	vld [tilespmem:$0x48];
	_ =	sdelay $0x4  }
0x121: {  	v5 =	vshll.u32 v4, $0x3  }
0x122: {  	v4 =	vand.u32 $0x7F, v4;
	v5 =	vand.u32 $0xFFFFFC00, v5  }
0x123: {  	v4 =	vor.u32 v4, v5  }
0x124: {  	v4 =	vadd.s32 v1, v4;
	_ =	sdelay $0x4  }
0x125: {  	[tilespmem:v4+s24+$0x0] =	vst.idx.msk $0xff, v2  }
0x126: {  	[hbm4b:s13+s2] =	stream.linear.scatter [tilespmem:s24], [sflag:$0x2], $0x8000, $0x38;
	[tilespmem:$0x10080] =	vst v63  }
0x127: {  	_ =	swait.ge [sflag:s22], $0x8000  }
0x128: {  	[sflag:s22] =	ssyncset.done $0x0  }
0x129: {  	[sflag:s22] =	ssyncadd.s32 $0xFFFF8000  }
0x12a: {  	v4 =	vld [tilespmem:$0x40];
	_ =	sdelay $0x4  }
0x12b: {  	v5 =	vshll.u32 v4, $0x3  }
0x12c: {  	v4 =	vand.u32 $0x7F, v4;
	v5 =	vand.u32 $0xFFFFFC00, v5  }
0x12d: {  	v4 =	vor.u32 v4, v5  }
0x12e: {  	v4 =	vadd.s32 v1, v4;
	_ =	sdelay $0x4  }
0x12f: {  	[tilespmem:v4+s23+$0x0] =	vst.idx.msk $0xff, v0  }
0x130: {  	v4 =	vld [tilespmem:$0x50];
	_ =	sdelay $0x4  }
0x131: {  	v5 =	vshll.u32 v4, $0x3  }
0x132: {  	v4 =	vand.u32 $0x7F, v4;
	v5 =	vand.u32 $0xFFFFFC00, v5  }
0x133: {  	v4 =	vor.u32 v4, v5  }
0x134: {  	v4 =	vadd.s32 v1, v4;
	_ =	sdelay $0x4  }
0x135: {  	[tilespmem:v4+s23+$0x0] =	vst.idx.msk $0xff, v2  }
0x136: {  	[hbm4b:s14+s2] =	stream.linear.scatter [tilespmem:s23], [sflag:$0x1], $0x8000, $0x38;
	[tilespmem:$0x10080] =	vst v63  }
0x137: {  	_ =	swait.ge [sflag:s25], $0x8000  }
0x138: {  	[sflag:s25] =	ssyncset.done $0x0  }
0x139: {  	[sflag:s25] =	ssyncadd.s32 $0xFFFF8000  }
0x13a: {  	v4 =	vld [tilespmem:$0x48];
	_ =	sdelay $0x4  }
0x13b: {  	v5 =	vshll.u32 v4, $0x3  }
0x13c: {  	v4 =	vand.u32 $0x7F, v4;
	v5 =	vand.u32 $0xFFFFFC00, v5  }
0x13d: {  	v4 =	vor.u32 v4, v5  }
0x13e: {  	v4 =	vadd.s32 v1, v4;
	_ =	sdelay $0x4  }
0x13f: {  	[tilespmem:v4+s24+$0x0] =	vst.idx.msk $0xff, v0  }
0x140: {  	v4 =	vld [tilespmem:$0x58];
	_ =	sdelay $0x4  }
0x141: {  	v5 =	vshll.u32 v4, $0x3  }
0x142: {  	v4 =	vand.u32 $0x7F, v4;
	v5 =	vand.u32 $0xFFFFFC00, v5  }
0x143: {  	v4 =	vor.u32 v4, v5  }
0x144: {  	v4 =	vadd.s32 v1, v4;
	_ =	sdelay $0x4  }
0x145: {  	[tilespmem:v4+s24+$0x0] =	vst.idx.msk $0xff, v2  }
0x146: {  	[hbm4b:s15+s2] =	stream.linear.scatter [tilespmem:s24], [sflag:$0x2], $0x8000, $0x38;
	[tilespmem:$0x10080] =	vst v63  }
0x147: {  	_ =	swait.ge [sflag:s22], $0x8000  }
0x148: {  	[sflag:s22] =	ssyncset.done $0x0  }
0x149: {  	[sflag:s22] =	ssyncadd.s32 $0xFFFF8000  }
0x14a: {  	v4 =	vld [tilespmem:$0x50];
	_ =	sdelay $0x4  }
0x14b: {  	v5 =	vshll.u32 v4, $0x3  }
0x14c: {  	v4 =	vand.u32 $0x7F, v4;
	v5 =	vand.u32 $0xFFFFFC00, v5  }
0x14d: {  	v4 =	vor.u32 v4, v5  }
0x14e: {  	v4 =	vadd.s32 v1, v4;
	_ =	sdelay $0x4  }
0x14f: {  	[tilespmem:v4+s23+$0x0] =	vst.idx.msk $0xff, v0  }
0x150: {  	v4 =	vld [tilespmem:$0x60];
	_ =	sdelay $0x4  }
0x151: {  	v5 =	vshll.u32 v4, $0x3  }
0x152: {  	v4 =	vand.u32 $0x7F, v4;
	v5 =	vand.u32 $0xFFFFFC00, v5  }
0x153: {  	v4 =	vor.u32 v4, v5  }
0x154: {  	v4 =	vadd.s32 v1, v4;
	_ =	sdelay $0x4  }
0x155: {  	[tilespmem:v4+s23+$0x0] =	vst.idx.msk $0xff, v2  }
0x156: {  	[hbm4b:s16+s2] =	stream.linear.scatter [tilespmem:s23], [sflag:$0x1], $0x8000, $0x38;
	[tilespmem:$0x10080] =	vst v63  }
0x157: {  	_ =	swait.ge [sflag:s25], $0x8000  }
0x158: {  	[sflag:s25] =	ssyncset.done $0x0  }
0x159: {  	[sflag:s25] =	ssyncadd.s32 $0xFFFF8000  }
0x15a: {  	v4 =	vld [tilespmem:$0x58];
	_ =	sdelay $0x4  }
0x15b: {  	v5 =	vshll.u32 v4, $0x3  }
0x15c: {  	v4 =	vand.u32 $0x7F, v4;
	v5 =	vand.u32 $0xFFFFFC00, v5  }
0x15d: {  	v4 =	vor.u32 v4, v5  }
0x15e: {  	v4 =	vadd.s32 v1, v4;
	_ =	sdelay $0x4  }
0x15f: {  	[tilespmem:v4+s24+$0x0] =	vst.idx.msk $0xff, v0  }
0x160: {  	v4 =	vld [tilespmem:$0x68];
	_ =	sdelay $0x4  }
0x161: {  	v5 =	vshll.u32 v4, $0x3  }
0x162: {  	v4 =	vand.u32 $0x7F, v4;
	v5 =	vand.u32 $0xFFFFFC00, v5  }
0x163: {  	v4 =	vor.u32 v4, v5  }
0x164: {  	v4 =	vadd.s32 v1, v4;
	_ =	sdelay $0x4  }
0x165: {  	[tilespmem:v4+s24+$0x0] =	vst.idx.msk $0xff, v2  }
0x166: {  	[hbm4b:s17+s2] =	stream.linear.scatter [tilespmem:s24], [sflag:$0x2], $0x8000, $0x38;
	[tilespmem:$0x10080] =	vst v63  }
0x167: {  	_ =	swait.ge [sflag:s22], $0x8000  }
0x168: {  	[sflag:s22] =	ssyncset.done $0x0  }
0x169: {  	[sflag:s22] =	ssyncadd.s32 $0xFFFF8000  }
0x16a: {  	v4 =	vld [tilespmem:$0x60];
	_ =	sdelay $0x4  }
0x16b: {  	v5 =	vshll.u32 v4, $0x3  }
0x16c: {  	v4 =	vand.u32 $0x7F, v4;
	v5 =	vand.u32 $0xFFFFFC00, v5  }
0x16d: {  	v4 =	vor.u32 v4, v5  }
0x16e: {  	v4 =	vadd.s32 v1, v4;
	_ =	sdelay $0x4  }
0x16f: {  	[tilespmem:v4+s23+$0x0] =	vst.idx.msk $0xff, v0  }
0x170: {  	v4 =	vld [tilespmem:$0x70];
	_ =	sdelay $0x4  }
0x171: {  	v5 =	vshll.u32 v4, $0x3  }
0x172: {  	v4 =	vand.u32 $0x7F, v4;
	v5 =	vand.u32 $0xFFFFFC00, v5  }
0x173: {  	v4 =	vor.u32 v4, v5  }
0x174: {  	v4 =	vadd.s32 v1, v4;
	_ =	sdelay $0x4  }
0x175: {  	[tilespmem:v4+s23+$0x0] =	vst.idx.msk $0xff, v2  }
0x176: {  	[hbm4b:s18+s2] =	stream.linear.scatter [tilespmem:s23], [sflag:$0x1], $0x8000, $0x38;
	[tilespmem:$0x10080] =	vst v63  }
0x177: {  	_ =	swait.ge [sflag:s25], $0x8000  }
0x178: {  	[sflag:s25] =	ssyncset.done $0x0  }
0x179: {  	[sflag:s25] =	ssyncadd.s32 $0xFFFF8000  }
0x17a: {  	v4 =	vld [tilespmem:$0x68];
	_ =	sdelay $0x4  }
0x17b: {  	v5 =	vshll.u32 v4, $0x3  }
0x17c: {  	v4 =	vand.u32 $0x7F, v4;
	v5 =	vand.u32 $0xFFFFFC00, v5  }
0x17d: {  	v4 =	vor.u32 v4, v5  }
0x17e: {  	v4 =	vadd.s32 v1, v4;
	_ =	sdelay $0x4  }
0x17f: {  	[tilespmem:v4+s24+$0x0] =	vst.idx.msk $0xff, v0  }
0x180: {  	v4 =	vld [tilespmem:$0x70];
	_ =	sdelay $0x4  }
0x181: {  	v5 =	vshll.u32 v4, $0x3  }
0x182: {  	v4 =	vand.u32 $0x7F, v4;
	v5 =	vand.u32 $0xFFFFFC00, v5  }
0x183: {  	v4 =	vor.u32 v4, v5  }
0x184: {  	v4 =	vadd.s32 v3, v4;
	_ =	sdelay $0x4  }
0x185: {  	s26 =	sadd.s32 $0x1, s26;
	[tilespmem:v4+s24+$0x0] =	vst.idx.msk vm0, v2  }
0x186: {  	[hbm4b:s19+s2] =	stream.linear.scatter [tilespmem:s24], [sflag:$0x2], $0x8000, $0x38;
	[tilespmem:$0x10080] =	vst v63  }
0x187: {  	p0 =	sne.s32 s26, s20;
	_ =	swait.ge [sflag:s22], $0x8000  }
.Ltmp2:
0x188: {  	[sflag:s22] =	ssyncset.done $0x0;
	(pc) =	sbr.rel @p0 .LBB2_1-.Ltmp2, $4  }
0x189: {  	[sflag:s22] =	ssyncadd.s32 $0xFFFF8000  }
0x18a: {  	_ =	swait.ge [sflag:s25], $0x8000  }
0x18b: {  	[sflag:s25] =	ssyncset.done $0x0  }
0x18c: {  	[sflag:s25] =	ssyncadd.s32 $0xFFFF8000  }
0x18d: {  	_ =	sfence.sel $0x180000  }
0x18e: {  	[bflag:$0x0] =	sbarrier.arrive $0xFFFF  }
0x18f: {  	_ =	strace $0x90000047  }
0x190: {  	s0 =	stileid.u32;
	[bflag:$0x2] =	sbarrier.arrive $0xFFFF  }
0x191: {  	p0 =	sne.s32 s0, $0x0;
	s0 =	rddreg [dreg:$0x2]  }
0x192: {  	s0 =	sadd.s32 @!p0 $0x100000, s0  }
0x193: {  	[sflag:s0] =	ssyncadd.tile.s32 @!p0 $0x1;
	_ =	shalt  }
.Lfunc_end2:
_tile_overlayer_lowered:
.L_overlay_start_2:
0x194: {  	(tag) =	ssettag $0x2  }
0x195: {  	s0 =	rddreg [dreg:$0x0];
	s2 =	stileid.u32  }
0x196: {  	s1 =	rddreg [dreg:$0x1];
	p0 =	sne.s32 s2, $0x0  }
0x197: {  	s3 =	rddreg [dreg:$0x2];
	[bflag:$0x3] =	sbarrier.arrive $0xFFFF;
	s2 =	simm.s32 @!p0 $0x1C03  }
0x198: {  	[timem:s3], [sflag:s2] =	dma.local @!p0 [hbm:s0], s1  }
0x199: {  	s0 =	simm.s32 @!p0 $0x3  }
0x19a: {  	_ =	swait.ge @!p0 [sflag:s0], s1  }
0x19b: {  	s1 =	ssub.s32 @!p0 $0x0, s1;
	[sflag:s0] =	ssyncset.done @!p0 $0x0  }
0x19c: {  	[sflag:s0] =	ssyncadd.s32 @!p0 s1  }
0x19d: {  	[bflag:$0x3] =	sbarrier.arrive $0xFFFF  }
0x19e: {  	_ =	shalt  }

</sc_bundles>
